<compile_context>
chip_gen: v7x
topology: tpu7x:2x2x1
jax: 0.10.2.dev20260603
libtpu: 0.0.44.dev20260713+nightly
codegen_flags: <defaults>
</compile_context>

<pallas_src>
import functools

import jax
import jax.numpy as jnp
from jax import lax
from jax.experimental import pallas as pl
from jax.experimental.pallas import tpu as pltpu
from jax.experimental.pallas import tpu_sc as plsc

_BBLK = 256


def _index_body(x_ref, t_ref, idx_ref):
    xb = x_ref[...]
    H, W, _ = xb.shape
    colsum = jnp.sum(xb, axis=0)
    rowsum = jnp.sum(xb, axis=1)

    def first_argmax(a):
        n = a.shape[0]
        m = jnp.max(a, axis=0, keepdims=True)
        ii = lax.broadcasted_iota(jnp.int32, a.shape, 0)
        return jnp.min(jnp.where(a == m, ii, n), axis=0)

    gx = first_argmax(colsum)
    gy = first_argmax(rowsum)
    idx_ref[...] = t_ref[...] * (H * W) + gx * W + gy


def _flat_indices(xt, t, start, nb):
    H, W, _ = xt.shape
    return pl.pallas_call(
        _index_body,
        grid=(nb,),
        in_specs=[
            pl.BlockSpec((H, W, _BBLK), lambda i: (0, 0, i + start)),
            pl.BlockSpec((_BBLK,), lambda i: (i + start,)),
        ],
        out_specs=pl.BlockSpec((_BBLK,), lambda i: (i,)),
        out_shape=jax.ShapeDtypeStruct((nb * _BBLK,), jnp.int32),
    )(xt, t)


_SC_PARAMS = pltpu.CompilerParams(
    use_tc_tiling_on_sc=True, needs_layout_passes=False)


@functools.lru_cache(maxsize=None)
def _make_gather(H, NA, W, T, B):
    info = plsc.get_sparse_core_info()
    NC = info.num_cores
    NW = NC * info.num_subcores
    L = info.num_lanes
    b_per_w = B // NW
    CH = L
    mesh = plsc.VectorSubcoreMesh(core_axis_name="c", subcore_axis_name="s")

    @functools.partial(
        pl.kernel,
        mesh=mesh,
        compiler_params=_SC_PARAMS,
        out_type=jax.ShapeDtypeStruct((NW, NA, b_per_w), jnp.float32),
        scratch_types=[
            pltpu.VMEM((b_per_w,), jnp.int32),
            pltpu.VMEM((NA, CH), jnp.int32),
            pltpu.VMEM((2, NA, CH, 128), jnp.float32),
            pltpu.VMEM((NA, b_per_w), jnp.float32),
            pltpu.SemaphoreType.DMA,
        ],
    )
    def k(tab_hbm, idx_hbm, out_hbm, idx_v, rowid_v, rows_v, out_v, sem):
        wid = lax.axis_index("s") * NC + lax.axis_index("c")
        base = wid * b_per_w
        pltpu.sync_copy(idx_hbm.at[pl.ds(base, b_per_w)], idx_v)
        lanes = lax.iota(jnp.int32, L)
        off_hi = pl.multiple_of(128 + lax.shift_right_logical(wid, 5), 128)

        def chunk(c):
            p = idx_v[pl.ds(c * CH, CH)]
            gx = jnp.bitwise_and(lax.shift_right_logical(p, 6), W - 1)
            gy = jnp.bitwise_and(p, W - 1)
            rbase = gx * (NA * W) + gy
            for a in range(NA):
                rowid_v[a, :] = rbase + a * W

            def fire(a):
                pltpu.async_copy(
                    tab_hbm.at[rowid_v.at[a], pl.ds(0, 128)],
                    rows_v.at[0, a], sem)
                pltpu.async_copy(
                    tab_hbm.at[rowid_v.at[a], pl.ds(off_hi, 128)],
                    rows_v.at[1, a], sem)

            def drain(a):
                pltpu.make_async_copy(
                    tab_hbm.at[rowid_v.at[a], pl.ds(0, 128)],
                    rows_v.at[0, a], sem).wait()
                pltpu.make_async_copy(
                    tab_hbm.at[rowid_v.at[a], pl.ds(0, 128)],
                    rows_v.at[1, a], sem).wait()

            pl.loop(0, NA)(fire)
            pl.loop(0, NA)(drain)
            tt = lax.shift_right_logical(p, 12)
            sel = lax.shift_right_logical(tt, 7)
            lane = jnp.bitwise_and(tt, 127)
            for a in range(NA):
                a_vec = jnp.full((L,), a, jnp.int32)
                val = plsc.load_gather(rows_v, [sel, a_vec, lanes, lane])
                out_v[a, pl.ds(c * CH, CH)] = val

        pl.loop(0, b_per_w // CH)(chunk)
        pltpu.sync_copy(out_v, out_hbm.at[wid])

    return k


def kernel(x, t, params):
    B, _, H, W = x.shape
    T = params.shape[0]
    NA = params.shape[-1]
    xt = jnp.squeeze(x.transpose(1, 2, 3, 0), axis=0)
    pt = jnp.squeeze(params.transpose(1, 2, 4, 3, 0), axis=0)
    tab = pt.reshape(H * NA * W, T)
    flat = _flat_indices(xt, t.astype(jnp.int32), 0, B // _BBLK)
    out3 = _make_gather(H, NA, W, T, B)(tab, flat)
    return out3.transpose(0, 2, 1).reshape(B, NA)

# --- scband reference (transcript-rebuilt; emitter-appended) ---
"""Pipeline reference for scband-tabular-grid-net-14465449852992 (READ-ONLY COPY).

The authoritative reference and input builder live on the scoring server;
editing this copy changes nothing except your own understanding.
"""

import jax, jax.numpy as jnp
import numpy as np

B = 4096
H = 64
W = 64
MAX_T = 201
N_ACTIONS = 18


def setup_inputs(seed: int = 0) -> dict:
    key = jax.random.key(seed)
    k1, k2, k3 = jax.random.split(key, 3)
    x = jax.random.normal(k1, (B, 1, H, W), dtype=jnp.float32)
    t = jax.random.randint(k2, (B,), 0, MAX_T, dtype=jnp.int32)
    params = jax.random.normal(k3, (MAX_T, 1, H, W, N_ACTIONS), dtype=jnp.float32)
    return {"x": x, "t": t, "params": params}


def reference(x, t, params):
    # is_sequence=False branch of TabularGridNet.forward
    ts = t.astype(jnp.int32).reshape(-1)
    # x: [B, 1, H, W]
    grid_x = jnp.argmax(x.sum(axis=-2), axis=-1).squeeze()  # [B]
    grid_y = jnp.argmax(x.sum(axis=-1), axis=-1).squeeze()  # [B]
    # gather from the tabular parameter grid: params[ts, 0, grid_x, grid_y, :]
    p = params[ts, 0, grid_x, grid_y, :]  # [B, n_actions]
    return p

if __name__ == "__main__":
    import jax
    _d = setup_inputs()
    print(jax.jit(kernel)(*tuple(_d.values())))

</pallas_src>

<mosaic_0001>
#map = affine_map<(d0, d1) -> (0, 0)>
#map1 = affine_map<(d0, d1) -> (0)>
#map2 = affine_map<(d0, d1) -> (0, 0, 0)>
module attributes {stable_mosaic.version = 14 : i64} {
  func.func @k(%arg0: i32, %arg1: i32, %arg2: memref<73728x201xf32, #tpu.memory_space<hbm>>, %arg3: memref<4096xi32, #tpu.memory_space<hbm>>, %arg4: memref<32x18x128xf32, #tpu.memory_space<hbm>>, %arg5: memref<128xi32, #tpu.memory_space<vmem>>, %arg6: memref<18x16xi32, #tpu.memory_space<vmem>>, %arg7: memref<2x18x16x128xf32, #tpu.memory_space<vmem>>, %arg8: memref<18x128xf32, #tpu.memory_space<vmem>>, %arg9: memref<!tpu.dma_semaphore, #tpu.memory_space<semaphore_mem>>) attributes {dimension_semantics = [#tpu.dimension_semantics<core_parallel>, #tpu.dimension_semantics<subcore_parallel>], iteration_bounds = array<i64: 2, 16>, scalar_prefetch = 0 : i64, scratch_operands = 5 : i64, tpu.core_type = #tpu.core_type<sc_vector_subcore>, window_params = [{transform_indices = #map}, {transform_indices = #map1}, {transform_indices = #map2}]} {
    %mul3A = arith.constant 2 : i32
    %mul3A_0 = arith.muli %arg1, %mul3A : i32
    %add3A = arith.addi %mul3A_0, %arg0 : i32
    %mul3A_1 = arith.constant 128 : i32
    %mul3A_2 = arith.muli %add3A, %mul3A_1 : i32
    "tpu.region"() ({
      %run_scoped3A = tpu.sem_alloc : memref<!tpu.dma_semaphore, #tpu.memory_space<semaphore_mem>>
      %dma_start3A = tpu.memref_slice %arg3[%mul3A_2] : memref<4096xi32, #tpu.memory_space<hbm>> -> memref<128xi32, #tpu.memory_space<hbm>>
      %dma_start3A_10 = tpu.memref_slice %arg3[%mul3A_2] : memref<4096xi32, #tpu.memory_space<hbm>> -> memref<128xi32, #tpu.memory_space<hbm>>
      tpu.enqueue_dma source(%dma_start3A_10 : memref<128xi32, #tpu.memory_space<hbm>>) target(%arg5 : memref<128xi32, #tpu.memory_space<vmem>>) target_semaphore(%run_scoped3A : memref<!tpu.dma_semaphore, #tpu.memory_space<semaphore_mem>>)
      %dma_wait3A = tpu.memref_slice %arg3[%mul3A_2] : memref<4096xi32, #tpu.memory_space<hbm>> -> memref<128xi32, #tpu.memory_space<hbm>>
      %dma_wait3A_11 = tpu.memref_slice %arg3[%mul3A_2] : memref<4096xi32, #tpu.memory_space<hbm>> -> memref<128xi32, #tpu.memory_space<hbm>>
      tpu.wait_dma2 semaphore(%run_scoped3A : memref<!tpu.dma_semaphore, #tpu.memory_space<semaphore_mem>>) src(%dma_wait3A_11 : memref<128xi32, #tpu.memory_space<hbm>>) dst(%arg5 : memref<128xi32, #tpu.memory_space<vmem>>)
      tpu.yield
    }) : () -> ()
    %iota3A = tpu.iota {dimensions = array<i32: 0>} : vector<16xi32>
    %shift_right_logical3A = arith.constant 5 : i32
    %shift_right_logical3A_3 = arith.shrui %add3A, %shift_right_logical3A : i32
    %add3A_4 = arith.constant 128 : i32
    %add3A_5 = arith.addi %add3A_4, %shift_right_logical3A_3 : i32
    %multiple_of3A = tpu.assume_multiple %add3A_5, 128 : i32
    %scan3A = arith.constant 0 : i32
    %scan3A_6 = arith.constant 8 : i32
    %scan3A_7 = arith.addi %scan3A, %scan3A_6 : i32
    %scan3A_8 = arith.constant 1 : i32
    scf.for %scan3A_10 = %scan3A to %scan3A_7 step %scan3A_8  : i32 {
      %mul3A_11 = arith.constant 1 : i32
      %mul3A_12 = arith.muli %scan3A_10, %mul3A_11 : i32
      %add3A_13 = arith.constant 0 : i32
      %add3A_14 = arith.addi %add3A_13, %mul3A_12 : i32
      %mul3A_15 = arith.constant 16 : i32
      %mul3A_16 = arith.muli %add3A_14, %mul3A_15 : i32
      %get3A = arith.index_cast %mul3A_16 : i32 to index
      %get3A_17 = tpu.vector_load %arg5[%get3A] {strides = array<i32>} : memref<128xi32, #tpu.memory_space<vmem>>, vector<16xi32>,
      %shift_right_logical3A_18 = arith.constant 6 : i32
      %shift_right_logical3A_19 = vector.broadcast %shift_right_logical3A_18 : i32 to vector<16xi32>
      %shift_right_logical3A_20 = arith.shrui %get3A_17, %shift_right_logical3A_19 : vector<16xi32>
      %and3A = arith.constant 63 : i32
      %and3A_21 = vector.broadcast %and3A : i32 to vector<16xi32>
      %and3A_22 = arith.andi %shift_right_logical3A_20, %and3A_21 : vector<16xi32>
      %and3A_23 = arith.constant 63 : i32
      %and3A_24 = vector.broadcast %and3A_23 : i32 to vector<16xi32>
      %and3A_25 = arith.andi %get3A_17, %and3A_24 : vector<16xi32>
      %mul3A_26 = arith.constant 1152 : i32
      %mul3A_27 = vector.broadcast %mul3A_26 : i32 to vector<16xi32>
      %mul3A_28 = arith.muli %and3A_22, %mul3A_27 : vector<16xi32>
      %add3A_29 = arith.addi %mul3A_28, %and3A_25 : vector<16xi32>
      %add3A_30 = arith.constant 0 : i32
      %add3A_31 = vector.broadcast %add3A_30 : i32 to vector<16xi32>
      %add3A_32 = arith.addi %add3A_29, %add3A_31 : vector<16xi32>
      %swap3A = arith.constant 0 : i32
      %swap3A_33 = arith.index_cast %swap3A : i32 to index
      %swap3A_34 = arith.constant 0 : index
      %swap3A_35 = tpu.vector_load %arg6[%swap3A_33, %swap3A_34] {strides = array<i32>} : memref<18x16xi32, #tpu.memory_space<vmem>>, vector<16xi32>,
      tpu.vector_store %arg6[%swap3A_33, %swap3A_34], %add3A_32 {strides = array<i32>} : memref<18x16xi32, #tpu.memory_space<vmem>>, vector<16xi32>,
      %add3A_36 = arith.constant 64 : i32
      %add3A_37 = vector.broadcast %add3A_36 : i32 to vector<16xi32>
      %add3A_38 = arith.addi %add3A_29, %add3A_37 : vector<16xi32>
      %swap3A_39 = arith.constant 1 : i32
      %swap3A_40 = arith.index_cast %swap3A_39 : i32 to index
      %swap3A_41 = arith.constant 0 : index
      %swap3A_42 = tpu.vector_load %arg6[%swap3A_40, %swap3A_41] {strides = array<i32>} : memref<18x16xi32, #tpu.memory_space<vmem>>, vector<16xi32>,
      tpu.vector_store %arg6[%swap3A_40, %swap3A_41], %add3A_38 {strides = array<i32>} : memref<18x16xi32, #tpu.memory_space<vmem>>, vector<16xi32>,
      %add3A_43 = arith.constant 128 : i32
      %add3A_44 = vector.broadcast %add3A_43 : i32 to vector<16xi32>
      %add3A_45 = arith.addi %add3A_29, %add3A_44 : vector<16xi32>
      %swap3A_46 = arith.constant 2 : i32
      %swap3A_47 = arith.index_cast %swap3A_46 : i32 to index
      %swap3A_48 = arith.constant 0 : index
      %swap3A_49 = tpu.vector_load %arg6[%swap3A_47, %swap3A_48] {strides = array<i32>} : memref<18x16xi32, #tpu.memory_space<vmem>>, vector<16xi32>,
      tpu.vector_store %arg6[%swap3A_47, %swap3A_48], %add3A_45 {strides = array<i32>} : memref<18x16xi32, #tpu.memory_space<vmem>>, vector<16xi32>,
      %add3A_50 = arith.constant 192 : i32
      %add3A_51 = vector.broadcast %add3A_50 : i32 to vector<16xi32>
      %add3A_52 = arith.addi %add3A_29, %add3A_51 : vector<16xi32>
      %swap3A_53 = arith.constant 3 : i32
      %swap3A_54 = arith.index_cast %swap3A_53 : i32 to index
      %swap3A_55 = arith.constant 0 : index
      %swap3A_56 = tpu.vector_load %arg6[%swap3A_54, %swap3A_55] {strides = array<i32>} : memref<18x16xi32, #tpu.memory_space<vmem>>, vector<16xi32>,
      tpu.vector_store %arg6[%swap3A_54, %swap3A_55], %add3A_52 {strides = array<i32>} : memref<18x16xi32, #tpu.memory_space<vmem>>, vector<16xi32>,
      %add3A_57 = arith.constant 256 : i32
      %add3A_58 = vector.broadcast %add3A_57 : i32 to vector<16xi32>
      %add3A_59 = arith.addi %add3A_29, %add3A_58 : vector<16xi32>
      %swap3A_60 = arith.constant 4 : i32
      %swap3A_61 = arith.index_cast %swap3A_60 : i32 to index
      %swap3A_62 = arith.constant 0 : index
      %swap3A_63 = tpu.vector_load %arg6[%swap3A_61, %swap3A_62] {strides = array<i32>} : memref<18x16xi32, #tpu.memory_space<vmem>>, vector<16xi32>,
      tpu.vector_store %arg6[%swap3A_61, %swap3A_62], %add3A_59 {strides = array<i32>} : memref<18x16xi32, #tpu.memory_space<vmem>>, vector<16xi32>,
      %add3A_64 = arith.constant 320 : i32
      %add3A_65 = vector.broadcast %add3A_64 : i32 to vector<16xi32>
      %add3A_66 = arith.addi %add3A_29, %add3A_65 : vector<16xi32>
      %swap3A_67 = arith.constant 5 : i32
      %swap3A_68 = arith.index_cast %swap3A_67 : i32 to index
      %swap3A_69 = arith.constant 0 : index
      %swap3A_70 = tpu.vector_load %arg6[%swap3A_68, %swap3A_69] {strides = array<i32>} : memref<18x16xi32, #tpu.memory_space<vmem>>, vector<16xi32>,
      tpu.vector_store %arg6[%swap3A_68, %swap3A_69], %add3A_66 {strides = array<i32>} : memref<18x16xi32, #tpu.memory_space<vmem>>, vector<16xi32>,
      %add3A_71 = arith.constant 384 : i32
      %add3A_72 = vector.broadcast %add3A_71 : i32 to vector<16xi32>
      %add3A_73 = arith.addi %add3A_29, %add3A_72 : vector<16xi32>
      %swap3A_74 = arith.constant 6 : i32
      %swap3A_75 = arith.index_cast %swap3A_74 : i32 to index
      %swap3A_76 = arith.constant 0 : index
      %swap3A_77 = tpu.vector_load %arg6[%swap3A_75, %swap3A_76] {strides = array<i32>} : memref<18x16xi32, #tpu.memory_space<vmem>>, vector<16xi32>,
      tpu.vector_store %arg6[%swap3A_75, %swap3A_76], %add3A_73 {strides = array<i32>} : memref<18x16xi32, #tpu.memory_space<vmem>>, vector<16xi32>,
      %add3A_78 = arith.constant 448 : i32
      %add3A_79 = vector.broadcast %add3A_78 : i32 to vector<16xi32>
      %add3A_80 = arith.addi %add3A_29, %add3A_79 : vector<16xi32>
      %swap3A_81 = arith.constant 7 : i32
      %swap3A_82 = arith.index_cast %swap3A_81 : i32 to index
      %swap3A_83 = arith.constant 0 : index
      %swap3A_84 = tpu.vector_load %arg6[%swap3A_82, %swap3A_83] {strides = array<i32>} : memref<18x16xi32, #tpu.memory_space<vmem>>, vector<16xi32>,
      tpu.vector_store %arg6[%swap3A_82, %swap3A_83], %add3A_80 {strides = array<i32>} : memref<18x16xi32, #tpu.memory_space<vmem>>, vector<16xi32>,
      %add3A_85 = arith.constant 512 : i32
      %add3A_86 = vector.broadcast %add3A_85 : i32 to vector<16xi32>
      %add3A_87 = arith.addi %add3A_29, %add3A_86 : vector<16xi32>
      %swap3A_88 = arith.constant 8 : i32
      %swap3A_89 = arith.index_cast %swap3A_88 : i32 to index
      %swap3A_90 = arith.constant 0 : index
      %swap3A_91 = tpu.vector_load %arg6[%swap3A_89, %swap3A_90] {strides = array<i32>} : memref<18x16xi32, #tpu.memory_space<vmem>>, vector<16xi32>,
      tpu.vector_store %arg6[%swap3A_89, %swap3A_90], %add3A_87 {strides = array<i32>} : memref<18x16xi32, #tpu.memory_space<vmem>>, vector<16xi32>,
      %add3A_92 = arith.constant 576 : i32
      %add3A_93 = vector.broadcast %add3A_92 : i32 to vector<16xi32>
      %add3A_94 = arith.addi %add3A_29, %add3A_93 : vector<16xi32>
      %swap3A_95 = arith.constant 9 : i32
      %swap3A_96 = arith.index_cast %swap3A_95 : i32 to index
      %swap3A_97 = arith.constant 0 : index
      %swap3A_98 = tpu.vector_load %arg6[%swap3A_96, %swap3A_97] {strides = array<i32>} : memref<18x16xi32, #tpu.memory_space<vmem>>, vector<16xi32>,
      tpu.vector_store %arg6[%swap3A_96, %swap3A_97], %add3A_94 {strides = array<i32>} : memref<18x16xi32, #tpu.memory_space<vmem>>, vector<16xi32>,
      %add3A_99 = arith.constant 640 : i32
      %add3A_100 = vector.broadcast %add3A_99 : i32 to vector<16xi32>
      %add3A_101 = arith.addi %add3A_29, %add3A_100 : vector<16xi32>
      %swap3A_102 = arith.constant 10 : i32
      %swap3A_103 = arith.index_cast %swap3A_102 : i32 to index
      %swap3A_104 = arith.constant 0 : index
      %swap3A_105 = tpu.vector_load %arg6[%swap3A_103, %swap3A_104] {strides = array<i32>} : memref<18x16xi32, #tpu.memory_space<vmem>>, vector<16xi32>,
      tpu.vector_store %arg6[%swap3A_103, %swap3A_104], %add3A_101 {strides = array<i32>} : memref<18x16xi32, #tpu.memory_space<vmem>>, vector<16xi32>,
      %add3A_106 = arith.constant 704 : i32
      %add3A_107 = vector.broadcast %add3A_106 : i32 to vector<16xi32>
      %add3A_108 = arith.addi %add3A_29, %add3A_107 : vector<16xi32>
      %swap3A_109 = arith.constant 11 : i32
      %swap3A_110 = arith.index_cast %swap3A_109 : i32 to index
      %swap3A_111 = arith.constant 0 : index
      %swap3A_112 = tpu.vector_load %arg6[%swap3A_110, %swap3A_111] {strides = array<i32>} : memref<18x16xi32, #tpu.memory_space<vmem>>, vector<16xi32>,
      tpu.vector_store %arg6[%swap3A_110, %swap3A_111], %add3A_108 {strides = array<i32>} : memref<18x16xi32, #tpu.memory_space<vmem>>, vector<16xi32>,
      %add3A_113 = arith.constant 768 : i32
      %add3A_114 = vector.broadcast %add3A_113 : i32 to vector<16xi32>
      %add3A_115 = arith.addi %add3A_29, %add3A_114 : vector<16xi32>
      %swap3A_116 = arith.constant 12 : i32
      %swap3A_117 = arith.index_cast %swap3A_116 : i32 to index
      %swap3A_118 = arith.constant 0 : index
      %swap3A_119 = tpu.vector_load %arg6[%swap3A_117, %swap3A_118] {strides = array<i32>} : memref<18x16xi32, #tpu.memory_space<vmem>>, vector<16xi32>,
      tpu.vector_store %arg6[%swap3A_117, %swap3A_118], %add3A_115 {strides = array<i32>} : memref<18x16xi32, #tpu.memory_space<vmem>>, vector<16xi32>,
      %add3A_120 = arith.constant 832 : i32
      %add3A_121 = vector.broadcast %add3A_120 : i32 to vector<16xi32>
      %add3A_122 = arith.addi %add3A_29, %add3A_121 : vector<16xi32>
      %swap3A_123 = arith.constant 13 : i32
      %swap3A_124 = arith.index_cast %swap3A_123 : i32 to index
      %swap3A_125 = arith.constant 0 : index
      %swap3A_126 = tpu.vector_load %arg6[%swap3A_124, %swap3A_125] {strides = array<i32>} : memref<18x16xi32, #tpu.memory_space<vmem>>, vector<16xi32>,
      tpu.vector_store %arg6[%swap3A_124, %swap3A_125], %add3A_122 {strides = array<i32>} : memref<18x16xi32, #tpu.memory_space<vmem>>, vector<16xi32>,
      %add3A_127 = arith.constant 896 : i32
      %add3A_128 = vector.broadcast %add3A_127 : i32 to vector<16xi32>
      %add3A_129 = arith.addi %add3A_29, %add3A_128 : vector<16xi32>
      %swap3A_130 = arith.constant 14 : i32
      %swap3A_131 = arith.index_cast %swap3A_130 : i32 to index
      %swap3A_132 = arith.constant 0 : index
      %swap3A_133 = tpu.vector_load %arg6[%swap3A_131, %swap3A_132] {strides = array<i32>} : memref<18x16xi32, #tpu.memory_space<vmem>>, vector<16xi32>,
      tpu.vector_store %arg6[%swap3A_131, %swap3A_132], %add3A_129 {strides = array<i32>} : memref<18x16xi32, #tpu.memory_space<vmem>>, vector<16xi32>,
      %add3A_134 = arith.constant 960 : i32
      %add3A_135 = vector.broadcast %add3A_134 : i32 to vector<16xi32>
      %add3A_136 = arith.addi %add3A_29, %add3A_135 : vector<16xi32>
      %swap3A_137 = arith.constant 15 : i32
      %swap3A_138 = arith.index_cast %swap3A_137 : i32 to index
      %swap3A_139 = arith.constant 0 : index
      %swap3A_140 = tpu.vector_load %arg6[%swap3A_138, %swap3A_139] {strides = array<i32>} : memref<18x16xi32, #tpu.memory_space<vmem>>, vector<16xi32>,
      tpu.vector_store %arg6[%swap3A_138, %swap3A_139], %add3A_136 {strides = array<i32>} : memref<18x16xi32, #tpu.memory_space<vmem>>, vector<16xi32>,
      %add3A_141 = arith.constant 1024 : i32
      %add3A_142 = vector.broadcast %add3A_141 : i32 to vector<16xi32>
      %add3A_143 = arith.addi %add3A_29, %add3A_142 : vector<16xi32>
      %swap3A_144 = arith.constant 16 : i32
      %swap3A_145 = arith.index_cast %swap3A_144 : i32 to index
      %swap3A_146 = arith.constant 0 : index
      %swap3A_147 = tpu.vector_load %arg6[%swap3A_145, %swap3A_146] {strides = array<i32>} : memref<18x16xi32, #tpu.memory_space<vmem>>, vector<16xi32>,
      tpu.vector_store %arg6[%swap3A_145, %swap3A_146], %add3A_143 {strides = array<i32>} : memref<18x16xi32, #tpu.memory_space<vmem>>, vector<16xi32>,
      %add3A_148 = arith.constant 1088 : i32
      %add3A_149 = vector.broadcast %add3A_148 : i32 to vector<16xi32>
      %add3A_150 = arith.addi %add3A_29, %add3A_149 : vector<16xi32>
      %swap3A_151 = arith.constant 17 : i32
      %swap3A_152 = arith.index_cast %swap3A_151 : i32 to index
      %swap3A_153 = arith.constant 0 : index
      %swap3A_154 = tpu.vector_load %arg6[%swap3A_152, %swap3A_153] {strides = array<i32>} : memref<18x16xi32, #tpu.memory_space<vmem>>, vector<16xi32>,
      tpu.vector_store %arg6[%swap3A_152, %swap3A_153], %add3A_150 {strides = array<i32>} : memref<18x16xi32, #tpu.memory_space<vmem>>, vector<16xi32>,
      %scan3A_155 = arith.constant 0 : i32
      %scan3A_156 = arith.constant 18 : i32
      %scan3A_157 = arith.addi %scan3A_155, %scan3A_156 : i32
      %scan3A_158 = arith.constant 1 : i32
      scf.for %scan3A_334 = %scan3A_155 to %scan3A_157 step %scan3A_158  : i32 {
        %mul3A_335 = arith.constant 1 : i32
        %mul3A_336 = arith.muli %scan3A_334, %mul3A_335 : i32
        %add3A_337 = arith.constant 0 : i32
        %add3A_338 = arith.addi %add3A_337, %mul3A_336 : i32
        %dma_start3A = arith.constant 0 : i32
        %dma_start3A_339 = arith.constant 0 : i32
        %dma_start3A_340 = arith.constant 0 : i32
        %dma_start3A_341 = tpu.memref_slice %arg7[%dma_start3A, %add3A_338, %dma_start3A_339, %dma_start3A_340] : memref<2x18x16x128xf32, #tpu.memory_space<vmem>> -> memref<1x1x16x128xf32, #tpu.memory_space<vmem>>
        %dma_start3A_342 = tpu.memref_squeeze %dma_start3A_341 : memref<1x1x16x128xf32, #tpu.memory_space<vmem>> -> memref<16x128xf32, #tpu.memory_space<vmem>>
        %dma_start3A_343 = arith.constant 0 : i32
        %dma_start3A_344 = tpu.memref_slice %arg6[%add3A_338, %dma_start3A_343] : memref<18x16xi32, #tpu.memory_space<vmem>> -> memref<1x16xi32, #tpu.memory_space<vmem>>
        %dma_start3A_345 = tpu.memref_squeeze %dma_start3A_344 : memref<1x16xi32, #tpu.memory_space<vmem>> -> memref<16xi32, #tpu.memory_space<vmem>>
        %dma_start3A_346 = arith.constant 0 : i32
        %dma_start3A_347 = arith.constant 0 : i32
        %dma_start3A_348 = tpu.memref_slice %arg2[%dma_start3A_346, %dma_start3A_347] : memref<73728x201xf32, #tpu.memory_space<hbm>> -> memref<73728x128xf32, #tpu.memory_space<hbm>>
        tpu.enqueue_indirect_dma source(%dma_start3A_348 : memref<73728x128xf32, #tpu.memory_space<hbm>>) target(%dma_start3A_342 : memref<16x128xf32, #tpu.memory_space<vmem>>) offsets(%dma_start3A_345 : memref<16xi32, #tpu.memory_space<vmem>>) semaphore(%arg9 : memref<!tpu.dma_semaphore, #tpu.memory_space<semaphore_mem>>)
        %dma_start3A_349 = arith.constant 1 : i32
        %dma_start3A_350 = arith.constant 0 : i32
        %dma_start3A_351 = arith.constant 0 : i32
        %dma_start3A_352 = tpu.memref_slice %arg7[%dma_start3A_349, %add3A_338, %dma_start3A_350, %dma_start3A_351] : memref<2x18x16x128xf32, #tpu.memory_space<vmem>> -> memref<1x1x16x128xf32, #tpu.memory_space<vmem>>
        %dma_start3A_353 = tpu.memref_squeeze %dma_start3A_352 : memref<1x1x16x128xf32, #tpu.memory_space<vmem>> -> memref<16x128xf32, #tpu.memory_space<vmem>>
        %dma_start3A_354 = arith.constant 0 : i32
        %dma_start3A_355 = tpu.memref_slice %arg6[%add3A_338, %dma_start3A_354] : memref<18x16xi32, #tpu.memory_space<vmem>> -> memref<1x16xi32, #tpu.memory_space<vmem>>
        %dma_start3A_356 = tpu.memref_squeeze %dma_start3A_355 : memref<1x16xi32, #tpu.memory_space<vmem>> -> memref<16xi32, #tpu.memory_space<vmem>>
        %dma_start3A_357 = arith.constant 0 : i32
        %dma_start3A_358 = tpu.memref_slice %arg2[%dma_start3A_357, %multiple_of3A] : memref<73728x201xf32, #tpu.memory_space<hbm>> -> memref<73728x128xf32, #tpu.memory_space<hbm>>
        tpu.enqueue_indirect_dma source(%dma_start3A_358 : memref<73728x128xf32, #tpu.memory_space<hbm>>) target(%dma_start3A_353 : memref<16x128xf32, #tpu.memory_space<vmem>>) offsets(%dma_start3A_356 : memref<16xi32, #tpu.memory_space<vmem>>) semaphore(%arg9 : memref<!tpu.dma_semaphore, #tpu.memory_space<semaphore_mem>>)
      }
      %scan3A_159 = arith.constant 18 : i32
      %scan3A_160 = arith.constant 0 : i32
      %scan3A_161 = arith.constant 18 : i32
      %scan3A_162 = arith.addi %scan3A_160, %scan3A_161 : i32
      %scan3A_163 = arith.constant 1 : i32
      scf.for %scan3A_334 = %scan3A_160 to %scan3A_162 step %scan3A_163  : i32 {
        %mul3A_335 = arith.constant 1 : i32
        %mul3A_336 = arith.muli %scan3A_334, %mul3A_335 : i32
        %add3A_337 = arith.constant 0 : i32
        %add3A_338 = arith.addi %add3A_337, %mul3A_336 : i32
        %dma_wait3A = arith.constant 0 : i32
        %dma_wait3A_339 = arith.constant 0 : i32
        %dma_wait3A_340 = arith.constant 0 : i32
        %dma_wait3A_341 = tpu.memref_slice %arg7[%dma_wait3A, %add3A_338, %dma_wait3A_339, %dma_wait3A_340] : memref<2x18x16x128xf32, #tpu.memory_space<vmem>> -> memref<1x1x16x128xf32, #tpu.memory_space<vmem>>
        %dma_wait3A_342 = tpu.memref_squeeze %dma_wait3A_341 : memref<1x1x16x128xf32, #tpu.memory_space<vmem>> -> memref<16x128xf32, #tpu.memory_space<vmem>>
        %dma_wait3A_343 = arith.constant 0 : i32
        %dma_wait3A_344 = tpu.memref_slice %arg6[%add3A_338, %dma_wait3A_343] : memref<18x16xi32, #tpu.memory_space<vmem>> -> memref<1x16xi32, #tpu.memory_space<vmem>>
        %dma_wait3A_345 = tpu.memref_squeeze %dma_wait3A_344 : memref<1x16xi32, #tpu.memory_space<vmem>> -> memref<16xi32, #tpu.memory_space<vmem>>
        %dma_wait3A_346 = arith.constant 0 : i32
        %dma_wait3A_347 = arith.constant 0 : i32
        %dma_wait3A_348 = tpu.memref_slice %arg2[%dma_wait3A_346, %dma_wait3A_347] : memref<73728x201xf32, #tpu.memory_space<hbm>> -> memref<73728x128xf32, #tpu.memory_space<hbm>>
        tpu.wait_indirect_dma semaphore(%arg9 : memref<!tpu.dma_semaphore, #tpu.memory_space<semaphore_mem>>) src(%dma_wait3A_348 : memref<73728x128xf32, #tpu.memory_space<hbm>>) dst(%dma_wait3A_342 : memref<16x128xf32, #tpu.memory_space<vmem>>)
        %dma_wait3A_349 = arith.constant 1 : i32
        %dma_wait3A_350 = arith.constant 0 : i32
        %dma_wait3A_351 = arith.constant 0 : i32
        %dma_wait3A_352 = tpu.memref_slice %arg7[%dma_wait3A_349, %add3A_338, %dma_wait3A_350, %dma_wait3A_351] : memref<2x18x16x128xf32, #tpu.memory_space<vmem>> -> memref<1x1x16x128xf32, #tpu.memory_space<vmem>>
        %dma_wait3A_353 = tpu.memref_squeeze %dma_wait3A_352 : memref<1x1x16x128xf32, #tpu.memory_space<vmem>> -> memref<16x128xf32, #tpu.memory_space<vmem>>
        %dma_wait3A_354 = arith.constant 0 : i32
        %dma_wait3A_355 = tpu.memref_slice %arg6[%add3A_338, %dma_wait3A_354] : memref<18x16xi32, #tpu.memory_space<vmem>> -> memref<1x16xi32, #tpu.memory_space<vmem>>
        %dma_wait3A_356 = tpu.memref_squeeze %dma_wait3A_355 : memref<1x16xi32, #tpu.memory_space<vmem>> -> memref<16xi32, #tpu.memory_space<vmem>>
        %dma_wait3A_357 = arith.constant 0 : i32
        %dma_wait3A_358 = arith.constant 0 : i32
        %dma_wait3A_359 = tpu.memref_slice %arg2[%dma_wait3A_357, %dma_wait3A_358] : memref<73728x201xf32, #tpu.memory_space<hbm>> -> memref<73728x128xf32, #tpu.memory_space<hbm>>
        tpu.wait_indirect_dma semaphore(%arg9 : memref<!tpu.dma_semaphore, #tpu.memory_space<semaphore_mem>>) src(%dma_wait3A_359 : memref<73728x128xf32, #tpu.memory_space<hbm>>) dst(%dma_wait3A_353 : memref<16x128xf32, #tpu.memory_space<vmem>>)
      }
      %scan3A_164 = arith.constant 18 : i32
      %shift_right_logical3A_165 = arith.constant 12 : i32
      %shift_right_logical3A_166 = vector.broadcast %shift_right_logical3A_165 : i32 to vector<16xi32>
      %shift_right_logical3A_167 = arith.shrui %get3A_17, %shift_right_logical3A_166 : vector<16xi32>
      %shift_right_logical3A_168 = arith.constant 7 : i32
      %shift_right_logical3A_169 = vector.broadcast %shift_right_logical3A_168 : i32 to vector<16xi32>
      %shift_right_logical3A_170 = arith.shrui %shift_right_logical3A_167, %shift_right_logical3A_169 : vector<16xi32>
      %and3A_171 = arith.constant 127 : i32
      %and3A_172 = vector.broadcast %and3A_171 : i32 to vector<16xi32>
      %and3A_173 = arith.andi %shift_right_logical3A_167, %and3A_172 : vector<16xi32>
      %broadcast_in_dim3A = arith.constant 0 : i32
      %broadcast_in_dim3A_174 = vector.broadcast %broadcast_in_dim3A : i32 to vector<16xi32>
      %gather3A = tpu.vector_load_idx %arg7[%shift_right_logical3A_170, %broadcast_in_dim3A_174, %iota3A, %and3A_173] : memref<2x18x16x128xf32, #tpu.memory_space<vmem>>[vector<16xi32>, vector<16xi32>, vector<16xi32>, vector<16xi32>], vector<16xf32>,
      %mul3A_175 = arith.constant 16 : i32
      %mul3A_176 = arith.muli %add3A_14, %mul3A_175 : i32
      %swap3A_177 = arith.constant 0 : i32
      %swap3A_178 = arith.index_cast %swap3A_177 : i32 to index
      %swap3A_179 = arith.index_cast %mul3A_176 : i32 to index
      %swap3A_180 = tpu.vector_load %arg8[%swap3A_178, %swap3A_179] {strides = array<i32>} : memref<18x128xf32, #tpu.memory_space<vmem>>, vector<16xf32>,
      tpu.vector_store %arg8[%swap3A_178, %swap3A_179], %gather3A {strides = array<i32>} : memref<18x128xf32, #tpu.memory_space<vmem>>, vector<16xf32>,
      %broadcast_in_dim3A_181 = arith.constant 1 : i32
      %broadcast_in_dim3A_182 = vector.broadcast %broadcast_in_dim3A_181 : i32 to vector<16xi32>
      %gather3A_183 = tpu.vector_load_idx %arg7[%shift_right_logical3A_170, %broadcast_in_dim3A_182, %iota3A, %and3A_173] : memref<2x18x16x128xf32, #tpu.memory_space<vmem>>[vector<16xi32>, vector<16xi32>, vector<16xi32>, vector<16xi32>], vector<16xf32>,
      %mul3A_184 = arith.constant 16 : i32
      %mul3A_185 = arith.muli %add3A_14, %mul3A_184 : i32
      %swap3A_186 = arith.constant 1 : i32
      %swap3A_187 = arith.index_cast %swap3A_186 : i32 to index
      %swap3A_188 = arith.index_cast %mul3A_185 : i32 to index
      %swap3A_189 = tpu.vector_load %arg8[%swap3A_187, %swap3A_188] {strides = array<i32>} : memref<18x128xf32, #tpu.memory_space<vmem>>, vector<16xf32>,
      tpu.vector_store %arg8[%swap3A_187, %swap3A_188], %gather3A_183 {strides = array<i32>} : memref<18x128xf32, #tpu.memory_space<vmem>>, vector<16xf32>,
      %broadcast_in_dim3A_190 = arith.constant 2 : i32
      %broadcast_in_dim3A_191 = vector.broadcast %broadcast_in_dim3A_190 : i32 to vector<16xi32>
      %gather3A_192 = tpu.vector_load_idx %arg7[%shift_right_logical3A_170, %broadcast_in_dim3A_191, %iota3A, %and3A_173] : memref<2x18x16x128xf32, #tpu.memory_space<vmem>>[vector<16xi32>, vector<16xi32>, vector<16xi32>, vector<16xi32>], vector<16xf32>,
      %mul3A_193 = arith.constant 16 : i32
      %mul3A_194 = arith.muli %add3A_14, %mul3A_193 : i32
      %swap3A_195 = arith.constant 2 : i32
      %swap3A_196 = arith.index_cast %swap3A_195 : i32 to index
      %swap3A_197 = arith.index_cast %mul3A_194 : i32 to index
      %swap3A_198 = tpu.vector_load %arg8[%swap3A_196, %swap3A_197] {strides = array<i32>} : memref<18x128xf32, #tpu.memory_space<vmem>>, vector<16xf32>,
      tpu.vector_store %arg8[%swap3A_196, %swap3A_197], %gather3A_192 {strides = array<i32>} : memref<18x128xf32, #tpu.memory_space<vmem>>, vector<16xf32>,
      %broadcast_in_dim3A_199 = arith.constant 3 : i32
      %broadcast_in_dim3A_200 = vector.broadcast %broadcast_in_dim3A_199 : i32 to vector<16xi32>
      %gather3A_201 = tpu.vector_load_idx %arg7[%shift_right_logical3A_170, %broadcast_in_dim3A_200, %iota3A, %and3A_173] : memref<2x18x16x128xf32, #tpu.memory_space<vmem>>[vector<16xi32>, vector<16xi32>, vector<16xi32>, vector<16xi32>], vector<16xf32>,
      %mul3A_202 = arith.constant 16 : i32
      %mul3A_203 = arith.muli %add3A_14, %mul3A_202 : i32
      %swap3A_204 = arith.constant 3 : i32
      %swap3A_205 = arith.index_cast %swap3A_204 : i32 to index
      %swap3A_206 = arith.index_cast %mul3A_203 : i32 to index
      %swap3A_207 = tpu.vector_load %arg8[%swap3A_205, %swap3A_206] {strides = array<i32>} : memref<18x128xf32, #tpu.memory_space<vmem>>, vector<16xf32>,
      tpu.vector_store %arg8[%swap3A_205, %swap3A_206], %gather3A_201 {strides = array<i32>} : memref<18x128xf32, #tpu.memory_space<vmem>>, vector<16xf32>,
      %broadcast_in_dim3A_208 = arith.constant 4 : i32
      %broadcast_in_dim3A_209 = vector.broadcast %broadcast_in_dim3A_208 : i32 to vector<16xi32>
      %gather3A_210 = tpu.vector_load_idx %arg7[%shift_right_logical3A_170, %broadcast_in_dim3A_209, %iota3A, %and3A_173] : memref<2x18x16x128xf32, #tpu.memory_space<vmem>>[vector<16xi32>, vector<16xi32>, vector<16xi32>, vector<16xi32>], vector<16xf32>,
      %mul3A_211 = arith.constant 16 : i32
      %mul3A_212 = arith.muli %add3A_14, %mul3A_211 : i32
      %swap3A_213 = arith.constant 4 : i32
      %swap3A_214 = arith.index_cast %swap3A_213 : i32 to index
      %swap3A_215 = arith.index_cast %mul3A_212 : i32 to index
      %swap3A_216 = tpu.vector_load %arg8[%swap3A_214, %swap3A_215] {strides = array<i32>} : memref<18x128xf32, #tpu.memory_space<vmem>>, vector<16xf32>,
      tpu.vector_store %arg8[%swap3A_214, %swap3A_215], %gather3A_210 {strides = array<i32>} : memref<18x128xf32, #tpu.memory_space<vmem>>, vector<16xf32>,
      %broadcast_in_dim3A_217 = arith.constant 5 : i32
      %broadcast_in_dim3A_218 = vector.broadcast %broadcast_in_dim3A_217 : i32 to vector<16xi32>
      %gather3A_219 = tpu.vector_load_idx %arg7[%shift_right_logical3A_170, %broadcast_in_dim3A_218, %iota3A, %and3A_173] : memref<2x18x16x128xf32, #tpu.memory_space<vmem>>[vector<16xi32>, vector<16xi32>, vector<16xi32>, vector<16xi32>], vector<16xf32>,
      %mul3A_220 = arith.constant 16 : i32
      %mul3A_221 = arith.muli %add3A_14, %mul3A_220 : i32
      %swap3A_222 = arith.constant 5 : i32
      %swap3A_223 = arith.index_cast %swap3A_222 : i32 to index
      %swap3A_224 = arith.index_cast %mul3A_221 : i32 to index
      %swap3A_225 = tpu.vector_load %arg8[%swap3A_223, %swap3A_224] {strides = array<i32>} : memref<18x128xf32, #tpu.memory_space<vmem>>, vector<16xf32>,
      tpu.vector_store %arg8[%swap3A_223, %swap3A_224], %gather3A_219 {strides = array<i32>} : memref<18x128xf32, #tpu.memory_space<vmem>>, vector<16xf32>,
      %broadcast_in_dim3A_226 = arith.constant 6 : i32
      %broadcast_in_dim3A_227 = vector.broadcast %broadcast_in_dim3A_226 : i32 to vector<16xi32>
      %gather3A_228 = tpu.vector_load_idx %arg7[%shift_right_logical3A_170, %broadcast_in_dim3A_227, %iota3A, %and3A_173] : memref<2x18x16x128xf32, #tpu.memory_space<vmem>>[vector<16xi32>, vector<16xi32>, vector<16xi32>, vector<16xi32>], vector<16xf32>,
      %mul3A_229 = arith.constant 16 : i32
      %mul3A_230 = arith.muli %add3A_14, %mul3A_229 : i32
      %swap3A_231 = arith.constant 6 : i32
      %swap3A_232 = arith.index_cast %swap3A_231 : i32 to index
      %swap3A_233 = arith.index_cast %mul3A_230 : i32 to index
      %swap3A_234 = tpu.vector_load %arg8[%swap3A_232, %swap3A_233] {strides = array<i32>} : memref<18x128xf32, #tpu.memory_space<vmem>>, vector<16xf32>,
      tpu.vector_store %arg8[%swap3A_232, %swap3A_233], %gather3A_228 {strides = array<i32>} : memref<18x128xf32, #tpu.memory_space<vmem>>, vector<16xf32>,
      %broadcast_in_dim3A_235 = arith.constant 7 : i32
      %broadcast_in_dim3A_236 = vector.broadcast %broadcast_in_dim3A_235 : i32 to vector<16xi32>
      %gather3A_237 = tpu.vector_load_idx %arg7[%shift_right_logical3A_170, %broadcast_in_dim3A_236, %iota3A, %and3A_173] : memref<2x18x16x128xf32, #tpu.memory_space<vmem>>[vector<16xi32>, vector<16xi32>, vector<16xi32>, vector<16xi32>], vector<16xf32>,
      %mul3A_238 = arith.constant 16 : i32
      %mul3A_239 = arith.muli %add3A_14, %mul3A_238 : i32
      %swap3A_240 = arith.constant 7 : i32
      %swap3A_241 = arith.index_cast %swap3A_240 : i32 to index
      %swap3A_242 = arith.index_cast %mul3A_239 : i32 to index
      %swap3A_243 = tpu.vector_load %arg8[%swap3A_241, %swap3A_242] {strides = array<i32>} : memref<18x128xf32, #tpu.memory_space<vmem>>, vector<16xf32>,
      tpu.vector_store %arg8[%swap3A_241, %swap3A_242], %gather3A_237 {strides = array<i32>} : memref<18x128xf32, #tpu.memory_space<vmem>>, vector<16xf32>,
      %broadcast_in_dim3A_244 = arith.constant 8 : i32
      %broadcast_in_dim3A_245 = vector.broadcast %broadcast_in_dim3A_244 : i32 to vector<16xi32>
      %gather3A_246 = tpu.vector_load_idx %arg7[%shift_right_logical3A_170, %broadcast_in_dim3A_245, %iota3A, %and3A_173] : memref<2x18x16x128xf32, #tpu.memory_space<vmem>>[vector<16xi32>, vector<16xi32>, vector<16xi32>, vector<16xi32>], vector<16xf32>,
      %mul3A_247 = arith.constant 16 : i32
      %mul3A_248 = arith.muli %add3A_14, %mul3A_247 : i32
      %swap3A_249 = arith.constant 8 : i32
      %swap3A_250 = arith.index_cast %swap3A_249 : i32 to index
      %swap3A_251 = arith.index_cast %mul3A_248 : i32 to index
      %swap3A_252 = tpu.vector_load %arg8[%swap3A_250, %swap3A_251] {strides = array<i32>} : memref<18x128xf32, #tpu.memory_space<vmem>>, vector<16xf32>,
      tpu.vector_store %arg8[%swap3A_250, %swap3A_251], %gather3A_246 {strides = array<i32>} : memref<18x128xf32, #tpu.memory_space<vmem>>, vector<16xf32>,
      %broadcast_in_dim3A_253 = arith.constant 9 : i32
      %broadcast_in_dim3A_254 = vector.broadcast %broadcast_in_dim3A_253 : i32 to vector<16xi32>
      %gather3A_255 = tpu.vector_load_idx %arg7[%shift_right_logical3A_170, %broadcast_in_dim3A_254, %iota3A, %and3A_173] : memref<2x18x16x128xf32, #tpu.memory_space<vmem>>[vector<16xi32>, vector<16xi32>, vector<16xi32>, vector<16xi32>], vector<16xf32>,
      %mul3A_256 = arith.constant 16 : i32
      %mul3A_257 = arith.muli %add3A_14, %mul3A_256 : i32
      %swap3A_258 = arith.constant 9 : i32
      %swap3A_259 = arith.index_cast %swap3A_258 : i32 to index
      %swap3A_260 = arith.index_cast %mul3A_257 : i32 to index
      %swap3A_261 = tpu.vector_load %arg8[%swap3A_259, %swap3A_260] {strides = array<i32>} : memref<18x128xf32, #tpu.memory_space<vmem>>, vector<16xf32>,
      tpu.vector_store %arg8[%swap3A_259, %swap3A_260], %gather3A_255 {strides = array<i32>} : memref<18x128xf32, #tpu.memory_space<vmem>>, vector<16xf32>,
      %broadcast_in_dim3A_262 = arith.constant 10 : i32
      %broadcast_in_dim3A_263 = vector.broadcast %broadcast_in_dim3A_262 : i32 to vector<16xi32>
      %gather3A_264 = tpu.vector_load_idx %arg7[%shift_right_logical3A_170, %broadcast_in_dim3A_263, %iota3A, %and3A_173] : memref<2x18x16x128xf32, #tpu.memory_space<vmem>>[vector<16xi32>, vector<16xi32>, vector<16xi32>, vector<16xi32>], vector<16xf32>,
      %mul3A_265 = arith.constant 16 : i32
      %mul3A_266 = arith.muli %add3A_14, %mul3A_265 : i32
      %swap3A_267 = arith.constant 10 : i32
      %swap3A_268 = arith.index_cast %swap3A_267 : i32 to index
      %swap3A_269 = arith.index_cast %mul3A_266 : i32 to index
      %swap3A_270 = tpu.vector_load %arg8[%swap3A_268, %swap3A_269] {strides = array<i32>} : memref<18x128xf32, #tpu.memory_space<vmem>>, vector<16xf32>,
      tpu.vector_store %arg8[%swap3A_268, %swap3A_269], %gather3A_264 {strides = array<i32>} : memref<18x128xf32, #tpu.memory_space<vmem>>, vector<16xf32>,
      %broadcast_in_dim3A_271 = arith.constant 11 : i32
      %broadcast_in_dim3A_272 = vector.broadcast %broadcast_in_dim3A_271 : i32 to vector<16xi32>
      %gather3A_273 = tpu.vector_load_idx %arg7[%shift_right_logical3A_170, %broadcast_in_dim3A_272, %iota3A, %and3A_173] : memref<2x18x16x128xf32, #tpu.memory_space<vmem>>[vector<16xi32>, vector<16xi32>, vector<16xi32>, vector<16xi32>], vector<16xf32>,
      %mul3A_274 = arith.constant 16 : i32
      %mul3A_275 = arith.muli %add3A_14, %mul3A_274 : i32
      %swap3A_276 = arith.constant 11 : i32
      %swap3A_277 = arith.index_cast %swap3A_276 : i32 to index
      %swap3A_278 = arith.index_cast %mul3A_275 : i32 to index
      %swap3A_279 = tpu.vector_load %arg8[%swap3A_277, %swap3A_278] {strides = array<i32>} : memref<18x128xf32, #tpu.memory_space<vmem>>, vector<16xf32>,
      tpu.vector_store %arg8[%swap3A_277, %swap3A_278], %gather3A_273 {strides = array<i32>} : memref<18x128xf32, #tpu.memory_space<vmem>>, vector<16xf32>,
      %broadcast_in_dim3A_280 = arith.constant 12 : i32
      %broadcast_in_dim3A_281 = vector.broadcast %broadcast_in_dim3A_280 : i32 to vector<16xi32>
      %gather3A_282 = tpu.vector_load_idx %arg7[%shift_right_logical3A_170, %broadcast_in_dim3A_281, %iota3A, %and3A_173] : memref<2x18x16x128xf32, #tpu.memory_space<vmem>>[vector<16xi32>, vector<16xi32>, vector<16xi32>, vector<16xi32>], vector<16xf32>,
      %mul3A_283 = arith.constant 16 : i32
      %mul3A_284 = arith.muli %add3A_14, %mul3A_283 : i32
      %swap3A_285 = arith.constant 12 : i32
      %swap3A_286 = arith.index_cast %swap3A_285 : i32 to index
      %swap3A_287 = arith.index_cast %mul3A_284 : i32 to index
      %swap3A_288 = tpu.vector_load %arg8[%swap3A_286, %swap3A_287] {strides = array<i32>} : memref<18x128xf32, #tpu.memory_space<vmem>>, vector<16xf32>,
      tpu.vector_store %arg8[%swap3A_286, %swap3A_287], %gather3A_282 {strides = array<i32>} : memref<18x128xf32, #tpu.memory_space<vmem>>, vector<16xf32>,
      %broadcast_in_dim3A_289 = arith.constant 13 : i32
      %broadcast_in_dim3A_290 = vector.broadcast %broadcast_in_dim3A_289 : i32 to vector<16xi32>
      %gather3A_291 = tpu.vector_load_idx %arg7[%shift_right_logical3A_170, %broadcast_in_dim3A_290, %iota3A, %and3A_173] : memref<2x18x16x128xf32, #tpu.memory_space<vmem>>[vector<16xi32>, vector<16xi32>, vector<16xi32>, vector<16xi32>], vector<16xf32>,
      %mul3A_292 = arith.constant 16 : i32
      %mul3A_293 = arith.muli %add3A_14, %mul3A_292 : i32
      %swap3A_294 = arith.constant 13 : i32
      %swap3A_295 = arith.index_cast %swap3A_294 : i32 to index
      %swap3A_296 = arith.index_cast %mul3A_293 : i32 to index
      %swap3A_297 = tpu.vector_load %arg8[%swap3A_295, %swap3A_296] {strides = array<i32>} : memref<18x128xf32, #tpu.memory_space<vmem>>, vector<16xf32>,
      tpu.vector_store %arg8[%swap3A_295, %swap3A_296], %gather3A_291 {strides = array<i32>} : memref<18x128xf32, #tpu.memory_space<vmem>>, vector<16xf32>,
      %broadcast_in_dim3A_298 = arith.constant 14 : i32
      %broadcast_in_dim3A_299 = vector.broadcast %broadcast_in_dim3A_298 : i32 to vector<16xi32>
      %gather3A_300 = tpu.vector_load_idx %arg7[%shift_right_logical3A_170, %broadcast_in_dim3A_299, %iota3A, %and3A_173] : memref<2x18x16x128xf32, #tpu.memory_space<vmem>>[vector<16xi32>, vector<16xi32>, vector<16xi32>, vector<16xi32>], vector<16xf32>,
      %mul3A_301 = arith.constant 16 : i32
      %mul3A_302 = arith.muli %add3A_14, %mul3A_301 : i32
      %swap3A_303 = arith.constant 14 : i32
      %swap3A_304 = arith.index_cast %swap3A_303 : i32 to index
      %swap3A_305 = arith.index_cast %mul3A_302 : i32 to index
      %swap3A_306 = tpu.vector_load %arg8[%swap3A_304, %swap3A_305] {strides = array<i32>} : memref<18x128xf32, #tpu.memory_space<vmem>>, vector<16xf32>,
      tpu.vector_store %arg8[%swap3A_304, %swap3A_305], %gather3A_300 {strides = array<i32>} : memref<18x128xf32, #tpu.memory_space<vmem>>, vector<16xf32>,
      %broadcast_in_dim3A_307 = arith.constant 15 : i32
      %broadcast_in_dim3A_308 = vector.broadcast %broadcast_in_dim3A_307 : i32 to vector<16xi32>
      %gather3A_309 = tpu.vector_load_idx %arg7[%shift_right_logical3A_170, %broadcast_in_dim3A_308, %iota3A, %and3A_173] : memref<2x18x16x128xf32, #tpu.memory_space<vmem>>[vector<16xi32>, vector<16xi32>, vector<16xi32>, vector<16xi32>], vector<16xf32>,
      %mul3A_310 = arith.constant 16 : i32
      %mul3A_311 = arith.muli %add3A_14, %mul3A_310 : i32
      %swap3A_312 = arith.constant 15 : i32
      %swap3A_313 = arith.index_cast %swap3A_312 : i32 to index
      %swap3A_314 = arith.index_cast %mul3A_311 : i32 to index
      %swap3A_315 = tpu.vector_load %arg8[%swap3A_313, %swap3A_314] {strides = array<i32>} : memref<18x128xf32, #tpu.memory_space<vmem>>, vector<16xf32>,
      tpu.vector_store %arg8[%swap3A_313, %swap3A_314], %gather3A_309 {strides = array<i32>} : memref<18x128xf32, #tpu.memory_space<vmem>>, vector<16xf32>,
      %broadcast_in_dim3A_316 = arith.constant 16 : i32
      %broadcast_in_dim3A_317 = vector.broadcast %broadcast_in_dim3A_316 : i32 to vector<16xi32>
      %gather3A_318 = tpu.vector_load_idx %arg7[%shift_right_logical3A_170, %broadcast_in_dim3A_317, %iota3A, %and3A_173] : memref<2x18x16x128xf32, #tpu.memory_space<vmem>>[vector<16xi32>, vector<16xi32>, vector<16xi32>, vector<16xi32>], vector<16xf32>,
      %mul3A_319 = arith.constant 16 : i32
      %mul3A_320 = arith.muli %add3A_14, %mul3A_319 : i32
      %swap3A_321 = arith.constant 16 : i32
      %swap3A_322 = arith.index_cast %swap3A_321 : i32 to index
      %swap3A_323 = arith.index_cast %mul3A_320 : i32 to index
      %swap3A_324 = tpu.vector_load %arg8[%swap3A_322, %swap3A_323] {strides = array<i32>} : memref<18x128xf32, #tpu.memory_space<vmem>>, vector<16xf32>,
      tpu.vector_store %arg8[%swap3A_322, %swap3A_323], %gather3A_318 {strides = array<i32>} : memref<18x128xf32, #tpu.memory_space<vmem>>, vector<16xf32>,
      %broadcast_in_dim3A_325 = arith.constant 17 : i32
      %broadcast_in_dim3A_326 = vector.broadcast %broadcast_in_dim3A_325 : i32 to vector<16xi32>
      %gather3A_327 = tpu.vector_load_idx %arg7[%shift_right_logical3A_170, %broadcast_in_dim3A_326, %iota3A, %and3A_173] : memref<2x18x16x128xf32, #tpu.memory_space<vmem>>[vector<16xi32>, vector<16xi32>, vector<16xi32>, vector<16xi32>], vector<16xf32>,
      %mul3A_328 = arith.constant 16 : i32
      %mul3A_329 = arith.muli %add3A_14, %mul3A_328 : i32
      %swap3A_330 = arith.constant 17 : i32
      %swap3A_331 = arith.index_cast %swap3A_330 : i32 to index
      %swap3A_332 = arith.index_cast %mul3A_329 : i32 to index
      %swap3A_333 = tpu.vector_load %arg8[%swap3A_331, %swap3A_332] {strides = array<i32>} : memref<18x128xf32, #tpu.memory_space<vmem>>, vector<16xf32>,
      tpu.vector_store %arg8[%swap3A_331, %swap3A_332], %gather3A_327 {strides = array<i32>} : memref<18x128xf32, #tpu.memory_space<vmem>>, vector<16xf32>,
    }
    %scan3A_9 = arith.constant 8 : i32
    "tpu.region"() ({
      %run_scoped3A = tpu.sem_alloc : memref<!tpu.dma_semaphore, #tpu.memory_space<semaphore_mem>>
      %dma_start3A = arith.constant 0 : i32
      %dma_start3A_10 = arith.constant 0 : i32
      %dma_start3A_11 = tpu.memref_slice %arg4[%add3A, %dma_start3A, %dma_start3A_10] : memref<32x18x128xf32, #tpu.memory_space<hbm>> -> memref<1x18x128xf32, #tpu.memory_space<hbm>>
      %dma_start3A_12 = tpu.memref_squeeze %dma_start3A_11 : memref<1x18x128xf32, #tpu.memory_space<hbm>> -> memref<18x128xf32, #tpu.memory_space<hbm>>
      %dma_start3A_13 = arith.constant 0 : i32
      %dma_start3A_14 = arith.constant 0 : i32
      %dma_start3A_15 = tpu.memref_slice %arg4[%add3A, %dma_start3A_13, %dma_start3A_14] : memref<32x18x128xf32, #tpu.memory_space<hbm>> -> memref<1x18x128xf32, #tpu.memory_space<hbm>>
      %dma_start3A_16 = tpu.memref_squeeze %dma_start3A_15 : memref<1x18x128xf32, #tpu.memory_space<hbm>> -> memref<18x128xf32, #tpu.memory_space<hbm>>
      tpu.enqueue_dma source(%arg8 : memref<18x128xf32, #tpu.memory_space<vmem>>) target(%dma_start3A_16 : memref<18x128xf32, #tpu.memory_space<hbm>>) target_semaphore(%run_scoped3A : memref<!tpu.dma_semaphore, #tpu.memory_space<semaphore_mem>>)
      %dma_wait3A = arith.constant 0 : i32
      %dma_wait3A_17 = arith.constant 0 : i32
      %dma_wait3A_18 = tpu.memref_slice %arg4[%add3A, %dma_wait3A, %dma_wait3A_17] : memref<32x18x128xf32, #tpu.memory_space<hbm>> -> memref<1x18x128xf32, #tpu.memory_space<hbm>>
      %dma_wait3A_19 = tpu.memref_squeeze %dma_wait3A_18 : memref<1x18x128xf32, #tpu.memory_space<hbm>> -> memref<18x128xf32, #tpu.memory_space<hbm>>
      %dma_wait3A_20 = arith.constant 0 : i32
      %dma_wait3A_21 = arith.constant 0 : i32
      %dma_wait3A_22 = tpu.memref_slice %arg4[%add3A, %dma_wait3A_20, %dma_wait3A_21] : memref<32x18x128xf32, #tpu.memory_space<hbm>> -> memref<1x18x128xf32, #tpu.memory_space<hbm>>
      %dma_wait3A_23 = tpu.memref_squeeze %dma_wait3A_22 : memref<1x18x128xf32, #tpu.memory_space<hbm>> -> memref<18x128xf32, #tpu.memory_space<hbm>>
      tpu.wait_dma2 semaphore(%run_scoped3A : memref<!tpu.dma_semaphore, #tpu.memory_space<semaphore_mem>>) src(%arg8 : memref<18x128xf32, #tpu.memory_space<vmem>>) dst(%dma_wait3A_23 : memref<18x128xf32, #tpu.memory_space<hbm>>)
      tpu.yield
    }) : () -> ()
    return
  }
}

module attributes {stable_mosaic.version = 14 : i64} {
  func.func @_index_body(%arg0: i32, %arg1: memref<64x64x256xf32, #tpu.memory_space<vmem>>, %arg2: memref<256xi32, #tpu.memory_space<vmem>>, %arg3: memref<256xi32, #tpu.memory_space<vmem>>) attributes {dimension_semantics = [#tpu.dimension_semantics<arbitrary>], iteration_bounds = array<i64: 16>, scalar_prefetch = 0 : i64, scratch_operands = 0 : i64, tpu.core_type = #tpu.core_type<tc>, window_params = [{transform_indices = @transform_0, window_bounds = array<i64: 64, 64, 256>}, {transform_indices = @transform_1, window_bounds = array<i64: 256>}, {transform_indices = @transform_2, window_bounds = array<i64: 256>}]} {
    %get3A = arith.constant 0 : index
    %get3A_0 = arith.constant 0 : index
    %get3A_1 = arith.constant 0 : index
    %get3A_2 = vector.load %arg1[%get3A, %get3A_0, %get3A_1] : memref<64x64x256xf32, #tpu.memory_space<vmem>>, vector<64x64x256xf32>
    %reduce_sum3A = arith.constant dense<0.000000e+00> : vector<64x256xf32>
    %reduce_sum3A_3 = vector.multi_reduction <add>, %get3A_2, %reduce_sum3A [0] : vector<64x64x256xf32> to vector<64x256xf32>
    %reduce_sum3A_4 = arith.constant dense<0.000000e+00> : vector<64x256xf32>
    %reduce_sum3A_5 = vector.multi_reduction <add>, %get3A_2, %reduce_sum3A_4 [1] : vector<64x64x256xf32> to vector<64x256xf32>
    %reduce_max3A = arith.constant dense<0xFF800000> : vector<256xf32>
    %reduce_max3A_6 = vector.multi_reduction <maximumf>, %reduce_sum3A_3, %reduce_max3A [0] : vector<64x256xf32> to vector<256xf32>
    %broadcast_in_dim3A = vector.shape_cast %reduce_max3A_6 : vector<256xf32> to vector<1x256xf32>
    %iota3A = tpu.iota {dimensions = array<i32: 0>} : vector<64x256xi32>
    %eq3A = vector.broadcast %broadcast_in_dim3A : vector<1x256xf32> to vector<64x256xf32>
    %eq3A_7 = arith.cmpf oeq, %reduce_sum3A_3, %eq3A : vector<64x256xf32>
    %jit3A = arith.constant 64 : i32
    %broadcast_in_dim3A_8 = vector.broadcast %jit3A : i32 to vector<64x256xi32>
    %select_n3A = arith.select %eq3A_7, %iota3A, %broadcast_in_dim3A_8 : vector<64x256xi1>, vector<64x256xi32>
    %reduce_min3A = arith.constant dense<2147483647> : vector<256xi32>
    %reduce_min3A_9 = vector.multi_reduction <minsi>, %select_n3A, %reduce_min3A [0] : vector<64x256xi32> to vector<256xi32>
    %reduce_max3A_10 = arith.constant dense<0xFF800000> : vector<256xf32>
    %reduce_max3A_11 = vector.multi_reduction <maximumf>, %reduce_sum3A_5, %reduce_max3A_10 [0] : vector<64x256xf32> to vector<256xf32>
    %broadcast_in_dim3A_12 = vector.shape_cast %reduce_max3A_11 : vector<256xf32> to vector<1x256xf32>
    %iota3A_13 = tpu.iota {dimensions = array<i32: 0>} : vector<64x256xi32>
    %eq3A_14 = vector.broadcast %broadcast_in_dim3A_12 : vector<1x256xf32> to vector<64x256xf32>
    %eq3A_15 = arith.cmpf oeq, %reduce_sum3A_5, %eq3A_14 : vector<64x256xf32>
    %jit3A_16 = arith.constant 64 : i32
    %broadcast_in_dim3A_17 = vector.broadcast %jit3A_16 : i32 to vector<64x256xi32>
    %select_n3A_18 = arith.select %eq3A_15, %iota3A_13, %broadcast_in_dim3A_17 : vector<64x256xi1>, vector<64x256xi32>
    %reduce_min3A_19 = arith.constant dense<2147483647> : vector<256xi32>
    %reduce_min3A_20 = vector.multi_reduction <minsi>, %select_n3A_18, %reduce_min3A_19 [0] : vector<64x256xi32> to vector<256xi32>
    %get3A_21 = arith.constant 0 : index
    %get3A_22 = vector.load %arg2[%get3A_21] : memref<256xi32, #tpu.memory_space<vmem>>, vector<256xi32>
    %mul3A = arith.constant 4096 : i32
    %mul3A_23 = vector.broadcast %mul3A : i32 to vector<256xi32>
    %mul3A_24 = arith.muli %get3A_22, %mul3A_23 : vector<256xi32>
    %mul3A_25 = arith.constant 64 : i32
    %mul3A_26 = vector.broadcast %mul3A_25 : i32 to vector<256xi32>
    %mul3A_27 = arith.muli %reduce_min3A_9, %mul3A_26 : vector<256xi32>
    %add3A = arith.addi %mul3A_24, %mul3A_27 : vector<256xi32>
    %add3A_28 = arith.addi %add3A, %reduce_min3A_20 : vector<256xi32>
    %swap3A = arith.constant 0 : index
    %swap3A_29 = vector.load %arg3[%swap3A] : memref<256xi32, #tpu.memory_space<vmem>>, vector<256xi32>
    tpu.vector_store %arg3[%swap3A], %add3A_28 {strides = array<i32>} : memref<256xi32, #tpu.memory_space<vmem>>, vector<256xi32>,
    return
  }
  func.func @transform_0(%arg0: i32) -> (i32, i32, i32) {
    %add3A = arith.constant 0 : i32
    %add3A_0 = arith.addi %arg0, %add3A : i32
    %c0_i32 = arith.constant 0 : i32
    %c0_i32_1 = arith.constant 0 : i32
    %c0_i32_2 = arith.constant 0 : i32
    return %c0_i32, %c0_i32_1, %add3A_0 : i32, i32, i32
  }
  func.func @transform_1(%arg0: i32) -> i32 {
    %add3A = arith.constant 0 : i32
    %add3A_0 = arith.addi %arg0, %add3A : i32
    %c0_i32 = arith.constant 0 : i32
    return %add3A_0 : i32
  }
  func.func @transform_2(%arg0: i32) -> i32 {
    %c0_i32 = arith.constant 0 : i32
    return %arg0 : i32
  }
}

</mosaic_0001>

<sc_bundles>
// kernel: kernel.4.cloned.1.call-start
scs
__scs_entry_jumppad:
0x0: {  	(pc) =	sbr.rel $0x88, $3  }
0x1: {  	(tag) =	ssettag $0x0;
	lr =	simm.s32 $0x1  }
0x2: {  	[smem:$0x3F9E] =	sst lr;
	_ =	strace $0xD0000000  }
0x3: {  	_ = 	snop  }
0x4: {  	_ = 	snop  }
0x5: {  	_ = 	snop  }
0x6: {  	_ = 	snop  }
0x7: {  	_ = 	snop  }
__scs_overlays_trampoline_lowered:
0x8: {  	[smem:$0x3FAD] =	sst s0  }
0x9: {  	[smem:$0x3FAE] =	sst s1  }
0xa: {  	[smem:$0x3FAF] =	sst s2  }
0xb: {  	[smem:$0x3FB0] =	sst s3  }
0xc: {  	[smem:$0x3FB1] =	sst s4  }
0xd: {  	[smem:$0x3FB2] =	sst s5  }
0xe: {  	[smem:$0x3FB3] =	sst s6  }
0xf: {  	[smem:$0x3FB4] =	sst s7  }
0x10: {  	[smem:$0x3FB5] =	sst s8  }
0x11: {  	[smem:$0x3FB6] =	sst s9;
	s0 =	simm.s32 @!p0 $0x0  }
0x12: {  	s1 =	sld [smem:$0x3F9C];
	s0 =	simm.s32 @p0 $0x1  }
0x13: {  	[smem:$0x3FB7] =	sst s0;
	s0 =	simm.s32 @!p1 $0x0  }
0x14: {  	s2 =	sld [smem:$0x3F9B];
	s0 =	simm.s32 @p1 $0x1  }
0x15: {  	[smem:$0x3FB8] =	sst s0;
	s0 =	simm.s32 @!p2 $0x0  }
0x16: {  	s3 =	sld [smem:$0x3FDB];
	s0 =	simm.s32 @p2 $0x1  }
0x17: {  	s4 =	simm.s32 $0x1BF5;
	[smem:$0x3FBA] =	sst s0  }
0x18: {  	s0 =	sld [smem:$0x3F9D];
	_ =	swait.ge [sflag:s4], $0x0  }
0x19: {  	s7 =	sld [smem:$0x3F9E]  }
0x1a: {  	s8 =	sadd.s32 $0xFFFFE003, lr  }
0x1b: {  	s9 =	sadd.s32 $0xFFFFFEF7, lr;
	s5 =	simm.s32 $0xFFFFFFFF;
	p2 =	slt.u32 s8, $0xFFFFF086  }
0x1c: {  	p1 =	slt.u32 s9, $0xF7A;
	s5 =	simm.s32 @!p2 $0x0  }
0x1d: {  	s5 =	simm.s32 @p1 $0x1;
	p0 =	seq.s32 s7, s2  }
0x1e: {  	s7 =	smul.u32 @!p0 $0xF7A, s2;
	p2 =	seq.s32 @!p0 s5, $0x0  }
0x1f: {  	s9 =	smul.u32 $0xF7A, s1;
	s8 =	simm.s32 @!p0 $0x1BF5;
	p2 =	por !p2, p0  }
0x20: {  	[sflag:s8] =	ssyncset.s32 @!p0 $0xFFFFF086;
	s6 =	sadd.s32 @!p0 s3, s7;
	s7 =	simm.s32 @!p0 $0x108  }
0x21: {  	s3 =	sadd.s32 s3, s9;
	s6 =	sadd.s32 @!p0 $0x88, s6;
	s7 =	simm.s32 @p2 $0x1082  }
0x22: {  	[simem:s7], [sflag:s8] =	dma.local @!p0 [hbm:s6], $0xF7A  }
0x23: {  	s9 =	sor.u32 $0xD0000000, s2;
	s6 =	simm.s32 $0x108;
	_ =	swait.ge @!p0 [sflag:s8], $0x0  }
0x24: {  	s3 =	sadd.s32 $0x88, s3;
	s6 =	simm.s32 @!p1 $0x1082;
	[sflag:s4] =	ssyncset.s32 $0xFFFFF086  }
0x25: {  	[simem:s6], [sflag:s4] =	dma.local [hbm:s3], $0xF7A  }
0x26: {  	[smem:$0x3F9E] =	sst s1;
	(tag) =	ssettag s2;
	_ =	strace s9  }
0x27: {  	s1 =	sld [smem:$0x3FAE]  }
0x28: {  	s2 =	sld [smem:$0x3FAF]  }
0x29: {  	s4 =	sld [smem:$0x3FB1]  }
0x2a: {  	p0 =	seq.s32 s5, $0x0;
	s5 =	sld [smem:$0x3FB2]  }
0x2b: {  	s6 =	sld [smem:$0x3FB3]  }
0x2c: {  	s7 =	sld [smem:$0x3FB4]  }
0x2d: {  	s3 =	simm.s32 $0x108;
	s8 =	sld [smem:$0x3FB5]  }
0x2e: {  	s3 =	simm.s32 @!p0 $0x1082;
	s9 =	sld [smem:$0x3FB6]  }
0x2f: {  	lr =	sadd.s32 s0, s3;
	s0 =	sld [smem:$0x3FAD]  }
0x30: {  	s3 =	sld [smem:$0x3FB0]  }
0x31: {  	[smem:$0x3FB9] =	sst s10  }
0x32: {  	s10 =	sld [smem:$0x3FB7];
	_ =	sdelay $0x3  }
0x33: {  	p0 =	seq.s32 s10, $0x1;
	s10 =	sld [smem:$0x3FB9];
	_ =	sdelay $0x3  }
0x34: {  	[smem:$0x3FB9] =	sst s10  }
0x35: {  	s10 =	sld [smem:$0x3FB8];
	_ =	sdelay $0x3  }
0x36: {  	p1 =	seq.s32 s10, $0x1;
	s10 =	sld [smem:$0x3FB9];
	_ =	sdelay $0x3  }
0x37: {  	[smem:$0x3FB9] =	sst s10  }
0x38: {  	s10 =	sld [smem:$0x3FBA]  }
0x39: {  	_ = 	snop;
	(pc) =	sbr.ind lr, $3  }
0x3a: {  	_ = 	snop  }
0x3b: {  	_ = 	snop  }
0x3c: {  	p2 =	seq.s32 s10, $0x1;
	s10 =	sld [smem:$0x3FB9]  }
0x3d: {  	_ =	shalt  }
0x3e: {  	_ =	shalt  }
0x3f: {  	_ =	shalt  }
0x40: {  	_ =	shalt  }
0x41: {  	_ =	shalt  }
0x42: {  	_ =	shalt  }
0x43: {  	_ =	shalt  }
0x44: {  	_ =	shalt  }
0x45: {  	_ =	shalt  }
0x46: {  	_ =	shalt  }
0x47: {  	_ =	shalt  }
0x48: {  	_ =	shalt  }
0x49: {  	_ =	shalt  }
0x4a: {  	_ =	shalt  }
0x4b: {  	_ =	shalt  }
0x4c: {  	_ =	shalt  }
0x4d: {  	_ =	shalt  }
0x4e: {  	_ =	shalt  }
0x4f: {  	_ =	shalt  }
0x50: {  	_ =	shalt  }
0x51: {  	_ =	shalt  }
0x52: {  	_ =	shalt  }
0x53: {  	_ =	shalt  }
0x54: {  	_ =	shalt  }
0x55: {  	_ =	shalt  }
0x56: {  	_ =	shalt  }
0x57: {  	_ =	shalt  }
0x58: {  	_ =	shalt  }
0x59: {  	_ =	shalt  }
0x5a: {  	_ =	shalt  }
0x5b: {  	_ =	shalt  }
0x5c: {  	_ =	shalt  }
0x5d: {  	_ =	shalt  }
0x5e: {  	_ =	shalt  }
0x5f: {  	_ =	shalt  }
0x60: {  	_ =	shalt  }
0x61: {  	_ =	shalt  }
0x62: {  	_ =	shalt  }
0x63: {  	_ =	shalt  }
0x64: {  	_ =	shalt  }
0x65: {  	_ =	shalt  }
0x66: {  	_ =	shalt  }
0x67: {  	_ =	shalt  }
0x68: {  	_ =	shalt  }
0x69: {  	_ =	shalt  }
0x6a: {  	_ =	shalt  }
0x6b: {  	_ =	shalt  }
0x6c: {  	_ =	shalt  }
0x6d: {  	_ =	shalt  }
0x6e: {  	_ =	shalt  }
0x6f: {  	_ =	shalt  }
0x70: {  	_ =	shalt  }
0x71: {  	_ =	shalt  }
0x72: {  	_ =	shalt  }
0x73: {  	_ =	shalt  }
0x74: {  	_ =	shalt  }
0x75: {  	_ =	shalt  }
0x76: {  	_ =	shalt  }
0x77: {  	_ =	shalt  }
0x78: {  	_ =	shalt  }
0x79: {  	_ =	shalt  }
0x7a: {  	_ =	shalt  }
0x7b: {  	_ =	shalt  }
0x7c: {  	_ =	shalt  }
0x7d: {  	_ =	shalt  }
0x7e: {  	_ =	shalt  }
0x7f: {  	_ =	shalt  }
0x80: {  	_ =	shalt  }
0x81: {  	_ =	shalt  }
0x82: {  	_ =	shalt  }
0x83: {  	_ =	shalt  }
0x84: {  	_ =	shalt  }
0x85: {  	_ =	shalt  }
0x86: {  	_ =	shalt  }
0x87: {  	_ =	shalt  }
.Lfunc_end0:
.L_simem_size_0:
called_computation_lowered:
.L_overlay_start_0:
0x88: {  	s2 =	sld [smem:$0x3FD9]  }
0x89: {  	s3 =	sld [smem:$0x3FFE];
	_ =	sdelay $0x1  }
0x8a: {  	s1 =	srdreg.scid  }
0x8b: {  	s0 =	sand.u32 $0x1, s1  }
0x8c: {  	s17 =	sshll.u32 s0, $0xA;
	s2 =	sadd.s32 s3, s2  }
0x8d: {  	s2 =	sadd.s32 s2, s17  }
0x8e: {  	[smem:$0x3FC5] =	sst s2  }
0x8f: {  	_ = 	snop  }
0x90: {  	s2 =	sld [smem:$0x3FC7]  }
0x91: {  	s18 =	sld [smem:$0x3FD0];
	(tm) =	ssettm $0x1  }
0x92: {  	s4 =	sld [smem:$0x3FFB];
	_ =	sdelay $0x3  }
0x93: {  	_ =	strace s4  }
0x94: {  	s4 =	sld [smem:$0x3FFC];
	_ =	sdelay $0x3  }
0x95: {  	_ =	strace s4  }
0x96: {  	s4 =	sld [smem:$0x3FFD];
	_ =	sdelay $0x3  }
0x97: {  	_ =	strace s4  }
0x98: {  	_ =	strace $0x8FFFFFFF  }
0x99: {  	s19 =	sld [smem:$0x3FDB];
	_ =	sdelay $0x1  }
0x9a: {  	s5 =	simm.s32 $_scs_section_size  }
0x9b: {  	s6 =	simm.s32 $_size__tile_overlayer_lowered;
	s7 =	simm.s32 $_tile_overlayer_lowered  }
0x9c: {  	s22 =	simm.s32 $0x1BFF;
	s21 =	sshll.u32 s7, $0x1;
	s4 =	sadd.s32 s5, s19  }
0x9d: {  	s8 =	simm.s32 $0x0;
	s20 =	sshll.u32 s6, $0x1;
	s6 =	sadd.s32 s21, s4  }
0x9e: {  	[timem:s8], [sflag:s22] =	dma.local [hbm:s6], s20  }
0x9f: {  	_ =	swait.ge [sflag:s22], s20  }
0xa0: {  	s5 =	ssub.s32 $0x0, s20;
	[sflag:s22] =	ssyncset.done $0x0  }
0xa1: {  	[sflag:s22] =	ssyncadd.s32 s5;
	_ =	sdelay $0x1  }
0xa2: {  	s23 =	simm.s32 $0x1B8B  }
0xa3: {  	_ =	swait.ge [sflag:s23], $0x1  }
0xa4: {  	[sflag:s23] =	ssyncset.done $0x0  }
0xa5: {  	s25 =	simm.s32 $0x1B8E;
	s24 =	sld [smem:$0x3FFE];
	[sflag:s23] =	ssyncadd.s32 $0xFFFFFFFF  }
0xa6: {  	s26 =	simm.s32 $execute0_lowered;
	[smem:$0x3FD2] =	sst s25  }
0xa7: {  	s6 =	sshll.u32 s26, $0x1;
	_ =	strace $0x80000046;
	[dreg:$0x1] =	wrdreg $0xFFFFFFFF  }
0xa8: {  	s28 =	simm.s32 $_size_execute0_lowered;
	s4 =	sadd.s32 s4, s6;
	[dreg:$0x0] =	wrdreg $0x0  }
0xa9: {  	s6 =	sshll.u32 s28, $0x1;
	[dreg:$0x2] =	wrdreg s4  }
0xaa: {  	[dreg:$0x3] =	wrdreg s6  }
0xab: {  	[dreg:$0x4] =	wrdreg $0xC0  }
0xac: {  	_ =	task [dreg:s8], $0x5FFFF  }
0xad: {  	[dreg:$0x1] =	wrdreg $0xFFFFFFFF  }
0xae: {  	[dreg:$0x0] =	wrdreg $0x60  }
0xaf: {  	[dreg:$0x2] =	wrdreg s2  }
0xb0: {  	[dreg:$0x3] =	wrdreg s24  }
0xb1: {  	[dreg:$0x4] =	wrdreg s18  }
0xb2: {  	[dreg:$0x5] =	wrdreg $0x9  }
0xb3: {  	_ =	task.clear_ibuf [dreg:s8], $0x6FFFF;
	_ =	strace $0x90000046  }
0xb4: {  	s29 =	simm.s32 $0x9;
	_ =	strace $0x80000048  }
0xb5: {  	_ =	swait.ge [sflag:s29], $0x1  }
0xb6: {  	[sflag:s29] =	ssyncadd.s32 $0xFFFFFFFF  }
0xb7: {  	_ =	strace $0x90000048  }
0xb8: {  	_ =	sfence  }
0xb9: {  	s30 =	sld [smem:$0x0];
	_ =	sdelay $0x2  }
0xba: {  	s31 =	sshll.u32 s1, $0xD;
	s1 =	sshrl.u32 s1, $0x2  }
0xbb: {  	s3 =	sand.u32 $0x4000, s31;
	s1 =	sadd.s32 s1, s30  }
0xbc: {  	s0 =	sor.u32 s3, s0;
	s1 =	sshll.u32 s1, $0x11  }
0xbd: {  	s0 =	sor.u32 s1, s0  }
0xbe: {  	s0 =	sadd.s32 $0x8F2B, s0  }
0xbf: {  	[sflag:s0] =	ssyncadd.remote.s32 $0x1  }
0xc0: {  	_ =	sfence.sel $0xFFFF  }
0xc1: {  	[dreg:$0x0] =	wrdreg $0xFFFFFFFF;
	(pc) =	sbr.abs _section_cstart, $3  }
0xc2: {  	[dreg:$0x1] =	wrdreg $0xFFFFFFFF  }
0xc3: {  	_ =	task.clear_ibuf [dreg:s8], $0x2FFFF;
	_ =	strace $0x9FFFFFFF  }
0xc4: {  	(tm) =	ssettm $0x7FFFFFFF  }
0xc5: {  	_ =	shalt  }
tec
execute0_lowered:
.L_overlay_start_1:
0x0: {  	(tag) =	ssettag $0x1  }
0x1: {  	v0 =	vimm.s32 $0x7  }
0x2: {  	s0 =	rddreg [dreg:$0x0];
	v1 =	vimm.s32 $0x1;
	v2 =	vimm.s32 $0x0;
	v13 =	vlaneseq.u32  }
0x3: {  	s4 =	rddreg [dreg:$0x1];
	vm0 =	vmmov $0x1;
	v4 =	vimm.s32 $0x2;
	v5 =	vimm.s32 $0x3  }
0x4: {  	s6 =	rddreg [dreg:$0x2];
	v6 =	vimm.s32 $0x4;
	v7 =	vimm.s32 $0x5;
	v8 =	vimm.s32 $0x6  }
0x5: {  	s1 =	rddreg [dreg:$0x3];
	v9 =	vimm.s32 $0x8;
	v10 =	vimm.s32 $0x9;
	v11 =	vimm.s32 $0xA  }
0x6: {  	s5 =	srdreg.scid;
	s2 =	stileid.u32;
	v12 =	vimm.s32 $0xB;
	v3 =	vmul.u32 $0x8, v13;
	v13 =	vmul.u32 $0x80, v13  }
0x7: {  	s3 =	simm.s32 $0x0;
	v14 =	vimm.s32 $0xC;
	v15 =	vimm.s32 $0xD;
	v16 =	vimm.s32 $0xE;
	s10 =	simm.s32 $0xC80;
	s11 =	simm.s32 $0x12C80  }
0x8: {  	v17 =	vimm.s32 $0xF;
	s12 =	simm.s32 $0x0;
	s5 =	sand.u32 $0x1, s5;
	s7 =	sshll.u32 s2, $0x1;
	v18 =	vor.u32 $0x800, v13;
	v19 =	vor.u32 $0x1000, v13  }
0x9: {  	[smem:$0x7FF] =	sst s3;
	s7 =	sor.u32 s5, s7;
	s5 =	ssub.s32 $0x2, s5;
	v20 =	vor.u32 $0x1800, v13;
	v21 =	vor.u32 $0x2000, v13;
	v22 =	vor.u32 $0x2800, v13  }
0xa: {  	_ =	strace $0x80000047;
	s8 =	sshll.u32 s7, $0x4;
	s9 =	sshrl.u32 s5, $0x1;
	v23 =	vor.u32 $0x3000, v13;
	v24 =	vor.u32 $0x3800, v13;
	v25 =	vor.u32 $0x4000, v13  }
0xb: {  	s7 =	smul.u32 $0x180, s7;
	v26 =	vor.u32 $0x4800, v13;
	v27 =	vor.u32 $0x5000, v13;
	v28 =	vor.u32 $0x5800, v13;
	s4 =	sadd.s32 s8, s4;
	s31 =	ssub.s32 s5, s9  }
0xc: {  	v29 =	vor.u32 $0x6000, v13;
	v30 =	vor.u32 $0x6800, v13;
	v31 =	vor.u32 $0x7000, v13;
	s5 =	sadd.s32 $0x80, s0;
	s8 =	simm.s32 $0x2;
	s9 =	simm.s32 $0x1  }
0xd: {  	v32 =	vor.u32 $0x7800, v13;
	v33 =	vor.u32 $0x8000, v13;
	v34 =	vor.u32 $0x8800, v13;
	s4 =	sadd.s32 $0x800, s4;
	s6 =	sadd.s32 s6, s7;
	s7 =	smax.u32 s31, $0x1  }
.LBB2_1:
0xe: {  	[tilespmem:s3], [sflag:$0x2] =	stream.linear.gather [hbm4b:s4+s3], $0x80, $0x38;
	[tilespmem:$0x13880] =	vst v63  }
0xf: {  	_ =	swait.ge [sflag:s8], $0x80  }
0x10: {  	[sflag:s8] =	ssyncset.done $0x0  }
0x11: {  	s13 =	simm.s32 $0x0;
	[sflag:s8] =	ssyncadd.s32 $0xFFFFFF80  }
.LBB2_2:
0x12: {  	s14 =	sshll.u32 s13, $0x4  }
0x13: {  	v35 =	vld [tilespmem:s14+$0x0];
	_ =	sdelay $0x4  }
0x14: {  	v36 =	vshrl.u32 v35, $0x6  }
0x15: {  	v36 =	vand.u32 $0x3F, v36  }
0x16: {  	v36 =	vmul.u32 $0x480, v36  }
0x17: {  	v37 =	vand.u32 $0x3F, v35  }
0x18: {  	v36 =	vor.u32 v37, v36  }
0x19: {  	[tilespmem:$0x80] =	vst v36;
	v37 =	vor.u32 $0x40, v36  }
0x1a: {  	v49 =	vadd.s32 $0x80, v36;
	[tilespmem:$0x100] =	vst v37  }
0x1b: {  	v50 =	vadd.s32 $0xC0, v36;
	[tilespmem:$0x180] =	vst v49  }
0x1c: {  	v51 =	vadd.s32 $0x100, v36;
	[tilespmem:$0x200] =	vst v50  }
0x1d: {  	v52 =	vadd.s32 $0x140, v36;
	[tilespmem:$0x280] =	vst v51  }
0x1e: {  	v53 =	vadd.s32 $0x180, v36;
	[tilespmem:$0x300] =	vst v52  }
0x1f: {  	v54 =	vadd.s32 $0x1C0, v36;
	[tilespmem:$0x380] =	vst v53  }
0x20: {  	v55 =	vadd.s32 $0x200, v36;
	[tilespmem:$0x400] =	vst v54  }
0x21: {  	v56 =	vadd.s32 $0x240, v36;
	[tilespmem:$0x480] =	vst v55  }
0x22: {  	v57 =	vadd.s32 $0x280, v36;
	[tilespmem:$0x500] =	vst v56  }
0x23: {  	v58 =	vadd.s32 $0x2C0, v36;
	[tilespmem:$0x580] =	vst v57  }
0x24: {  	v59 =	vadd.s32 $0x300, v36;
	[tilespmem:$0x600] =	vst v58  }
0x25: {  	v60 =	vadd.s32 $0x340, v36;
	[tilespmem:$0x680] =	vst v59  }
0x26: {  	v61 =	vadd.s32 $0x380, v36;
	[tilespmem:$0x700] =	vst v60  }
0x27: {  	v62 =	vadd.s32 $0x3C0, v36;
	[tilespmem:$0x780] =	vst v61  }
0x28: {  	v63 =	vadd.s32 $0x400, v36;
	[tilespmem:$0x800] =	vst v62  }
0x29: {  	v36 =	vadd.s32 $0x440, v36;
	[tilespmem:$0x880] =	vst v63  }
0x2a: {  	s15 =	simm.s32 $0x0;
	s16 =	simm.s32 $0x80;
	[tilespmem:$0x900] =	vst v36  }
.LBB2_3:
0x2b: {  	v36 =	vld [tilespmem:s16+$0x0];
	_ =	sdelay $0x4  }
0x2c: {  	v37 =	vshll.u32 v36, $0x1  }
0x2d: {  	v36 =	vand.u32 $0x7, v36;
	v37 =	vand.u32 $0xFFFFFFF0, v37  }
0x2e: {  	v36 =	vor.u32 v36, v37  }
0x2f: {  	v37 =	vperm.xlane v36, v2;
	_ =	sdelay $0x1  }
0x30: {  	v38 =	vperm.xlane v36, v1;
	v37 =	vadd.s32 v3, v37;
	_ =	sdelay $0x1  }
0x31: {  	v39 =	vperm.xlane v36, v4;
	v38 =	vadd.s32 v3, v38  }
0x32: {  	s17 =	sshra.s32 s15, $0x2  }
0x33: {  	s18 =	sadd.s32 $0xC80, s17;
	v40 =	vperm.xlane v36, v5;
	v39 =	vadd.s32 v3, v39  }
0x34: {  	[tilespmem:s18], [sflag:$0x1] =	stream.indirect_vreg.gather [hbm4b:s0+s3], $0x80, v37, vm0, $0xb8;
	[tilespmem:$0x13880] =	vst v63  }
0x35: {  	s25 =	sadd.s32 $0xD00, s17;
	v55 =	vperm.xlane v36, v6;
	v54 =	vadd.s32 v3, v40  }
0x36: {  	[tilespmem:s25], [sflag:$0x1] =	stream.indirect_vreg.gather [hbm4b:s0+s3], $0x80, v38, vm0, $0xb8;
	[tilespmem:$0x13880] =	vst v63  }
0x37: {  	s26 =	sadd.s32 $0xD80, s17;
	v57 =	vperm.xlane v36, v7;
	v56 =	vadd.s32 v3, v55  }
0x38: {  	[tilespmem:s26], [sflag:$0x1] =	stream.indirect_vreg.gather [hbm4b:s0+s3], $0x80, v39, vm0, $0xb8;
	[tilespmem:$0x13880] =	vst v63  }
0x39: {  	s28 =	sadd.s32 $0xE00, s17;
	v59 =	vperm.xlane v36, v8;
	v58 =	vadd.s32 v3, v57  }
0x3a: {  	[tilespmem:s28], [sflag:$0x1] =	stream.indirect_vreg.gather [hbm4b:s0+s3], $0x80, v54, vm0, $0xb8;
	[tilespmem:$0x13880] =	vst v63  }
0x3b: {  	s29 =	sadd.s32 $0xE80, s17;
	v61 =	vperm.xlane v36, v0;
	v60 =	vadd.s32 v3, v59  }
0x3c: {  	[tilespmem:s29], [sflag:$0x1] =	stream.indirect_vreg.gather [hbm4b:s0+s3], $0x80, v56, vm0, $0xb8;
	[tilespmem:$0x13880] =	vst v63  }
0x3d: {  	s30 =	sadd.s32 $0xF00, s17;
	v63 =	vperm.xlane v36, v9;
	v62 =	vadd.s32 v3, v61  }
0x3e: {  	[tilespmem:s30], [sflag:$0x1] =	stream.indirect_vreg.gather [hbm4b:s0+s3], $0x80, v58, vm0, $0xb8;
	[tilespmem:$0x13880] =	vst v63  }
0x3f: {  	s31 =	sadd.s32 $0xF80, s17;
	v45 =	vperm.xlane v36, v10;
	v44 =	vadd.s32 v3, v63  }
0x40: {  	[tilespmem:s31], [sflag:$0x1] =	stream.indirect_vreg.gather [hbm4b:s0+s3], $0x80, v60, vm0, $0xb8;
	[tilespmem:$0x13880] =	vst v63  }
0x41: {  	s19 =	sadd.s32 $0x1000, s17;
	v47 =	vperm.xlane v36, v11;
	v46 =	vadd.s32 v3, v45  }
0x42: {  	[tilespmem:s19], [sflag:$0x1] =	stream.indirect_vreg.gather [hbm4b:s0+s3], $0x80, v62, vm0, $0xb8;
	[tilespmem:$0x13880] =	vst v63  }
0x43: {  	s20 =	sadd.s32 $0x1080, s17;
	v49 =	vperm.xlane v36, v12;
	v48 =	vadd.s32 v3, v47  }
0x44: {  	[tilespmem:s20], [sflag:$0x1] =	stream.indirect_vreg.gather [hbm4b:s0+s3], $0x80, v44, vm0, $0xb8;
	[tilespmem:$0x13880] =	vst v63  }
0x45: {  	s21 =	sadd.s32 $0x1100, s17;
	v51 =	vperm.xlane v36, v14;
	v50 =	vadd.s32 v3, v49  }
0x46: {  	[tilespmem:s21], [sflag:$0x1] =	stream.indirect_vreg.gather [hbm4b:s0+s3], $0x80, v46, vm0, $0xb8;
	[tilespmem:$0x13880] =	vst v63  }
0x47: {  	s22 =	sadd.s32 $0x1180, s17;
	v53 =	vperm.xlane v36, v15;
	v52 =	vadd.s32 v3, v51  }
0x48: {  	[tilespmem:s22], [sflag:$0x1] =	stream.indirect_vreg.gather [hbm4b:s0+s3], $0x80, v48, vm0, $0xb8;
	[tilespmem:$0x13880] =	vst v63  }
0x49: {  	s23 =	sadd.s32 $0x1200, s17;
	v55 =	vperm.xlane v36, v16;
	v54 =	vadd.s32 v3, v53  }
0x4a: {  	[tilespmem:s23], [sflag:$0x1] =	stream.indirect_vreg.gather [hbm4b:s0+s3], $0x80, v50, vm0, $0xb8;
	[tilespmem:$0x13880] =	vst v63  }
0x4b: {  	s24 =	sadd.s32 $0x1280, s17;
	v36 =	vperm.xlane v36, v17;
	v56 =	vadd.s32 v3, v55  }
0x4c: {  	[tilespmem:s24], [sflag:$0x1] =	stream.indirect_vreg.gather [hbm4b:s0+s3], $0x80, v52, vm0, $0xb8;
	[tilespmem:$0x13880] =	vst v63  }
0x4d: {  	v36 =	vadd.s32 v3, v36;
	s25 =	sadd.s32 $0x1300, s17  }
0x4e: {  	[tilespmem:s25], [sflag:$0x1] =	stream.indirect_vreg.gather [hbm4b:s0+s3], $0x80, v54, vm0, $0xb8;
	[tilespmem:$0x13880] =	vst v63  }
0x4f: {  	s26 =	sadd.s32 $0x1380, s17  }
0x50: {  	[tilespmem:s26], [sflag:$0x1] =	stream.indirect_vreg.gather [hbm4b:s0+s3], $0x80, v56, vm0, $0xb8;
	[tilespmem:$0x13880] =	vst v63  }
0x51: {  	s28 =	sadd.s32 $0x1400, s17  }
0x52: {  	[tilespmem:s28], [sflag:$0x1] =	stream.indirect_vreg.gather [hbm4b:s0+s3], $0x80, v36, vm0, $0xb8;
	[tilespmem:$0x13880] =	vst v63  }
0x53: {  	v36 =	vld [tilespmem:s16+$0x0];
	_ =	sdelay $0x4  }
0x54: {  	v57 =	vshll.u32 v36, $0x1  }
0x55: {  	v36 =	vand.u32 $0x7, v36;
	v37 =	vand.u32 $0xFFFFFFF0, v57  }
0x56: {  	v36 =	vor.u32 v36, v37  }
0x57: {  	v37 =	vperm.xlane v36, v2;
	_ =	sdelay $0x1  }
0x58: {  	v58 =	vperm.xlane v36, v1;
	v37 =	vadd.s32 v3, v37;
	_ =	sdelay $0x1  }
0x59: {  	v59 =	vperm.xlane v36, v4;
	v38 =	vadd.s32 v3, v58;
	_ =	sdelay $0x1  }
0x5a: {  	s29 =	sadd.s32 $0x9C80, s17;
	v60 =	vperm.xlane v36, v5;
	v39 =	vadd.s32 v3, v59  }
0x5b: {  	[tilespmem:s29], [sflag:$0x1] =	stream.indirect_vreg.gather [hbm4b:s5+s3], $0x80, v37, vm0, $0xb8;
	[tilespmem:$0x13880] =	vst v63  }
0x5c: {  	s30 =	sadd.s32 $0x9D00, s17;
	v62 =	vperm.xlane v36, v6;
	v61 =	vadd.s32 v3, v60  }
0x5d: {  	[tilespmem:s30], [sflag:$0x1] =	stream.indirect_vreg.gather [hbm4b:s5+s3], $0x80, v38, vm0, $0xb8;
	[tilespmem:$0x13880] =	vst v63  }
0x5e: {  	s31 =	sadd.s32 $0x9D80, s17;
	v44 =	vperm.xlane v36, v7;
	v63 =	vadd.s32 v3, v62  }
0x5f: {  	[tilespmem:s31], [sflag:$0x1] =	stream.indirect_vreg.gather [hbm4b:s5+s3], $0x80, v39, vm0, $0xb8;
	[tilespmem:$0x13880] =	vst v63  }
0x60: {  	s19 =	sadd.s32 $0x9E00, s17;
	v46 =	vperm.xlane v36, v8;
	v45 =	vadd.s32 v3, v44  }
0x61: {  	[tilespmem:s19], [sflag:$0x1] =	stream.indirect_vreg.gather [hbm4b:s5+s3], $0x80, v61, vm0, $0xb8;
	[tilespmem:$0x13880] =	vst v63  }
0x62: {  	s20 =	sadd.s32 $0x9E80, s17;
	v48 =	vperm.xlane v36, v0;
	v47 =	vadd.s32 v3, v46  }
0x63: {  	[tilespmem:s20], [sflag:$0x1] =	stream.indirect_vreg.gather [hbm4b:s5+s3], $0x80, v63, vm0, $0xb8;
	[tilespmem:$0x13880] =	vst v63  }
0x64: {  	s21 =	sadd.s32 $0x9F00, s17;
	v50 =	vperm.xlane v36, v9;
	v49 =	vadd.s32 v3, v48  }
0x65: {  	[tilespmem:s21], [sflag:$0x1] =	stream.indirect_vreg.gather [hbm4b:s5+s3], $0x80, v45, vm0, $0xb8;
	[tilespmem:$0x13880] =	vst v63  }
0x66: {  	s22 =	sadd.s32 $0x9F80, s17;
	v52 =	vperm.xlane v36, v10;
	v51 =	vadd.s32 v3, v50  }
0x67: {  	[tilespmem:s22], [sflag:$0x1] =	stream.indirect_vreg.gather [hbm4b:s5+s3], $0x80, v47, vm0, $0xb8;
	[tilespmem:$0x13880] =	vst v63  }
0x68: {  	s23 =	sadd.s32 $0xA000, s17;
	v54 =	vperm.xlane v36, v11;
	v53 =	vadd.s32 v3, v52  }
0x69: {  	[tilespmem:s23], [sflag:$0x1] =	stream.indirect_vreg.gather [hbm4b:s5+s3], $0x80, v49, vm0, $0xb8;
	[tilespmem:$0x13880] =	vst v63  }
0x6a: {  	s24 =	sadd.s32 $0xA080, s17;
	v56 =	vperm.xlane v36, v12;
	v55 =	vadd.s32 v3, v54  }
0x6b: {  	[tilespmem:s24], [sflag:$0x1] =	stream.indirect_vreg.gather [hbm4b:s5+s3], $0x80, v51, vm0, $0xb8;
	[tilespmem:$0x13880] =	vst v63  }
0x6c: {  	s25 =	sadd.s32 $0xA100, s17;
	v57 =	vadd.s32 v3, v56;
	v58 =	vperm.xlane v36, v14  }
0x6d: {  	[tilespmem:s25], [sflag:$0x1] =	stream.indirect_vreg.gather [hbm4b:s5+s3], $0x80, v53, vm0, $0xb8;
	[tilespmem:$0x13880] =	vst v63  }
0x6e: {  	s26 =	sadd.s32 $0xA180, s17;
	v60 =	vperm.xlane v36, v15;
	v59 =	vadd.s32 v3, v58  }
0x6f: {  	[tilespmem:s26], [sflag:$0x1] =	stream.indirect_vreg.gather [hbm4b:s5+s3], $0x80, v55, vm0, $0xb8;
	[tilespmem:$0x13880] =	vst v63  }
0x70: {  	s28 =	sadd.s32 $0xA200, s17;
	v61 =	vadd.s32 v3, v60  }
0x71: {  	v62 =	vperm.xlane v36, v16;
	[tilespmem:s28], [sflag:$0x1] =	stream.indirect_vreg.gather [hbm4b:s5+s3], $0x80, v57, vm0, $0xb8;
	[tilespmem:$0x13880] =	vst v63  }
0x72: {  	s29 =	sadd.s32 $0xA280, s17  }
0x73: {  	v36 =	vperm.xlane v36, v17;
	v63 =	vadd.s32 v3, v62;
	[tilespmem:s29], [sflag:$0x1] =	stream.indirect_vreg.gather [hbm4b:s5+s3], $0x80, v59, vm0, $0xb8;
	[tilespmem:$0x13880] =	vst v63  }
0x74: {  	p0 =	sne.s32 s15, $0x22000;
	s30 =	sadd.s32 $0xA300, s17  }
0x75: {  	v36 =	vadd.s32 v3, v36;
	[tilespmem:s30], [sflag:$0x1] =	stream.indirect_vreg.gather [hbm4b:s5+s3], $0x80, v61, vm0, $0xb8;
	[tilespmem:$0x13880] =	vst v63  }
.Ltmp0:
0x76: {  	_ = 	snop;
	(pc) =	sbr.rel @p0 .LBB2_3-.Ltmp0, $4  }
0x77: {  	s31 =	sadd.s32 $0xA380, s17  }
0x78: {  	[tilespmem:s31], [sflag:$0x1] =	stream.indirect_vreg.gather [hbm4b:s5+s3], $0x80, v63, vm0, $0xb8;
	[tilespmem:$0x13880] =	vst v63  }
0x79: {  	s15 =	sadd.s32 $0x2000, s15;
	s16 =	sadd.s32 $0x80, s16;
	s17 =	sadd.s32 $0xA400, s17  }
0x7a: {  	[tilespmem:s17], [sflag:$0x1] =	stream.indirect_vreg.gather [hbm4b:s5+s3], $0x80, v36, vm0, $0xb8;
	[tilespmem:$0x13880] =	vst v63  }
0x7b: {  	_ =	swait.ge [sflag:s9], $0x800  }
0x7c: {  	[sflag:s9] =	ssyncset.done $0x0  }
0x7d: {  	[sflag:s9] =	ssyncadd.s32 $0xFFFFF800  }
0x7e: {  	_ =	swait.ge [sflag:s9], $0x800  }
0x7f: {  	[sflag:s9] =	ssyncset.done $0x0  }
0x80: {  	[sflag:s9] =	ssyncadd.s32 $0xFFFFF800  }
0x81: {  	_ =	swait.ge [sflag:s9], $0x800  }
0x82: {  	[sflag:s9] =	ssyncset.done $0x0  }
0x83: {  	[sflag:s9] =	ssyncadd.s32 $0xFFFFF800  }
0x84: {  	_ =	swait.ge [sflag:s9], $0x800  }
0x85: {  	[sflag:s9] =	ssyncset.done $0x0  }
0x86: {  	[sflag:s9] =	ssyncadd.s32 $0xFFFFF800  }
0x87: {  	_ =	swait.ge [sflag:s9], $0x800  }
0x88: {  	[sflag:s9] =	ssyncset.done $0x0  }
0x89: {  	[sflag:s9] =	ssyncadd.s32 $0xFFFFF800  }
0x8a: {  	_ =	swait.ge [sflag:s9], $0x800  }
0x8b: {  	[sflag:s9] =	ssyncset.done $0x0  }
0x8c: {  	[sflag:s9] =	ssyncadd.s32 $0xFFFFF800  }
0x8d: {  	_ =	swait.ge [sflag:s9], $0x800  }
0x8e: {  	[sflag:s9] =	ssyncset.done $0x0  }
0x8f: {  	[sflag:s9] =	ssyncadd.s32 $0xFFFFF800  }
0x90: {  	_ =	swait.ge [sflag:s9], $0x800  }
0x91: {  	[sflag:s9] =	ssyncset.done $0x0  }
0x92: {  	[sflag:s9] =	ssyncadd.s32 $0xFFFFF800  }
0x93: {  	_ =	swait.ge [sflag:s9], $0x800  }
0x94: {  	[sflag:s9] =	ssyncset.done $0x0  }
0x95: {  	[sflag:s9] =	ssyncadd.s32 $0xFFFFF800  }
0x96: {  	_ =	swait.ge [sflag:s9], $0x800  }
0x97: {  	[sflag:s9] =	ssyncset.done $0x0  }
0x98: {  	[sflag:s9] =	ssyncadd.s32 $0xFFFFF800  }
0x99: {  	_ =	swait.ge [sflag:s9], $0x800  }
0x9a: {  	[sflag:s9] =	ssyncset.done $0x0  }
0x9b: {  	[sflag:s9] =	ssyncadd.s32 $0xFFFFF800  }
0x9c: {  	_ =	swait.ge [sflag:s9], $0x800  }
0x9d: {  	[sflag:s9] =	ssyncset.done $0x0  }
0x9e: {  	[sflag:s9] =	ssyncadd.s32 $0xFFFFF800  }
0x9f: {  	_ =	swait.ge [sflag:s9], $0x800  }
0xa0: {  	[sflag:s9] =	ssyncset.done $0x0  }
0xa1: {  	[sflag:s9] =	ssyncadd.s32 $0xFFFFF800  }
0xa2: {  	_ =	swait.ge [sflag:s9], $0x800  }
0xa3: {  	[sflag:s9] =	ssyncset.done $0x0  }
0xa4: {  	[sflag:s9] =	ssyncadd.s32 $0xFFFFF800  }
0xa5: {  	_ =	swait.ge [sflag:s9], $0x800  }
0xa6: {  	[sflag:s9] =	ssyncset.done $0x0  }
0xa7: {  	[sflag:s9] =	ssyncadd.s32 $0xFFFFF800  }
0xa8: {  	_ =	swait.ge [sflag:s9], $0x800  }
0xa9: {  	[sflag:s9] =	ssyncset.done $0x0  }
0xaa: {  	[sflag:s9] =	ssyncadd.s32 $0xFFFFF800  }
0xab: {  	_ =	swait.ge [sflag:s9], $0x800  }
0xac: {  	[sflag:s9] =	ssyncset.done $0x0  }
0xad: {  	[sflag:s9] =	ssyncadd.s32 $0xFFFFF800  }
0xae: {  	_ =	swait.ge [sflag:s9], $0x800  }
0xaf: {  	[sflag:s9] =	ssyncset.done $0x0  }
0xb0: {  	[sflag:s9] =	ssyncadd.s32 $0xFFFFF800  }
0xb1: {  	_ =	swait.ge [sflag:s9], $0x800  }
0xb2: {  	[sflag:s9] =	ssyncset.done $0x0  }
0xb3: {  	[sflag:s9] =	ssyncadd.s32 $0xFFFFF800  }
0xb4: {  	_ =	swait.ge [sflag:s9], $0x800  }
0xb5: {  	[sflag:s9] =	ssyncset.done $0x0  }
0xb6: {  	[sflag:s9] =	ssyncadd.s32 $0xFFFFF800  }
0xb7: {  	_ =	swait.ge [sflag:s9], $0x800  }
0xb8: {  	[sflag:s9] =	ssyncset.done $0x0  }
0xb9: {  	[sflag:s9] =	ssyncadd.s32 $0xFFFFF800  }
0xba: {  	_ =	swait.ge [sflag:s9], $0x800  }
0xbb: {  	[sflag:s9] =	ssyncset.done $0x0  }
0xbc: {  	[sflag:s9] =	ssyncadd.s32 $0xFFFFF800  }
0xbd: {  	_ =	swait.ge [sflag:s9], $0x800  }
0xbe: {  	[sflag:s9] =	ssyncset.done $0x0  }
0xbf: {  	[sflag:s9] =	ssyncadd.s32 $0xFFFFF800  }
0xc0: {  	_ =	swait.ge [sflag:s9], $0x800  }
0xc1: {  	[sflag:s9] =	ssyncset.done $0x0  }
0xc2: {  	[sflag:s9] =	ssyncadd.s32 $0xFFFFF800  }
0xc3: {  	_ =	swait.ge [sflag:s9], $0x800  }
0xc4: {  	[sflag:s9] =	ssyncset.done $0x0  }
0xc5: {  	[sflag:s9] =	ssyncadd.s32 $0xFFFFF800  }
0xc6: {  	_ =	swait.ge [sflag:s9], $0x800  }
0xc7: {  	[sflag:s9] =	ssyncset.done $0x0  }
0xc8: {  	[sflag:s9] =	ssyncadd.s32 $0xFFFFF800  }
0xc9: {  	_ =	swait.ge [sflag:s9], $0x800  }
0xca: {  	[sflag:s9] =	ssyncset.done $0x0  }
0xcb: {  	[sflag:s9] =	ssyncadd.s32 $0xFFFFF800  }
0xcc: {  	_ =	swait.ge [sflag:s9], $0x800  }
0xcd: {  	[sflag:s9] =	ssyncset.done $0x0  }
0xce: {  	[sflag:s9] =	ssyncadd.s32 $0xFFFFF800  }
0xcf: {  	_ =	swait.ge [sflag:s9], $0x800  }
0xd0: {  	[sflag:s9] =	ssyncset.done $0x0  }
0xd1: {  	[sflag:s9] =	ssyncadd.s32 $0xFFFFF800  }
0xd2: {  	_ =	swait.ge [sflag:s9], $0x800  }
0xd3: {  	[sflag:s9] =	ssyncset.done $0x0  }
0xd4: {  	[sflag:s9] =	ssyncadd.s32 $0xFFFFF800  }
0xd5: {  	_ =	swait.ge [sflag:s9], $0x800  }
0xd6: {  	[sflag:s9] =	ssyncset.done $0x0  }
0xd7: {  	[sflag:s9] =	ssyncadd.s32 $0xFFFFF800  }
0xd8: {  	_ =	swait.ge [sflag:s9], $0x800  }
0xd9: {  	[sflag:s9] =	ssyncset.done $0x0  }
0xda: {  	[sflag:s9] =	ssyncadd.s32 $0xFFFFF800  }
0xdb: {  	_ =	swait.ge [sflag:s9], $0x800  }
0xdc: {  	[sflag:s9] =	ssyncset.done $0x0  }
0xdd: {  	[sflag:s9] =	ssyncadd.s32 $0xFFFFF800  }
0xde: {  	v36 =	vshrl.u32 v35, $0x13;
	_ =	swait.ge [sflag:s9], $0x800  }
0xdf: {  	v48 =	vshrl.u32 v35, $0xC;
	v36 =	vmul.u32 $0x9000, v36;
	[sflag:s9] =	ssyncset.done $0x0  }
0xe0: {  	v35 =	vand.u32 $0x7F, v48;
	[sflag:s9] =	ssyncadd.s32 $0xFFFFF800  }
0xe1: {  	v35 =	vor.u32 v36, v35;
	_ =	swait.ge [sflag:s9], $0x800  }
0xe2: {  	v36 =	vor.u32 v13, v35;
	[sflag:s9] =	ssyncset.done $0x0  }
0xe3: {  	[sflag:s9] =	ssyncadd.s32 $0xFFFFF800  }
0xe4: {  	_ =	swait.ge [sflag:s9], $0x800  }
0xe5: {  	[sflag:s9] =	ssyncset.done $0x0  }
0xe6: {  	[sflag:s9] =	ssyncadd.s32 $0xFFFFF800  }
0xe7: {  	v36 =	vld.idx.msk [tilespmem:v36+s10+$0x0], $0xffff  }
0xe8: {  	v37 =	vor.u32 v18, v35;
	_ =	sdelay $0x3  }
0xe9: {  	[tilespmem:s14+$0x12C80] =	vst v36  }
0xea: {  	v36 =	vld.idx.msk [tilespmem:v37+s10+$0x0], $0xffff  }
0xeb: {  	v49 =	vadd.s32 v19, v35;
	_ =	sdelay $0x3  }
0xec: {  	[tilespmem:s14+$0x12D00] =	vst v36  }
0xed: {  	v36 =	vld.idx.msk [tilespmem:v49+s10+$0x0], $0xffff  }
0xee: {  	v50 =	vadd.s32 v20, v35;
	_ =	sdelay $0x3  }
0xef: {  	[tilespmem:s14+$0x12D80] =	vst v36  }
0xf0: {  	v36 =	vld.idx.msk [tilespmem:v50+s10+$0x0], $0xffff  }
0xf1: {  	v51 =	vadd.s32 v21, v35;
	_ =	sdelay $0x3  }
0xf2: {  	[tilespmem:s14+$0x12E00] =	vst v36  }
0xf3: {  	v36 =	vld.idx.msk [tilespmem:v51+s10+$0x0], $0xffff  }
0xf4: {  	v52 =	vadd.s32 v22, v35;
	_ =	sdelay $0x3  }
0xf5: {  	[tilespmem:s14+$0x12E80] =	vst v36  }
0xf6: {  	v36 =	vld.idx.msk [tilespmem:v52+s10+$0x0], $0xffff  }
0xf7: {  	v53 =	vadd.s32 v23, v35;
	_ =	sdelay $0x3  }
0xf8: {  	[tilespmem:s14+$0x12F00] =	vst v36  }
0xf9: {  	v36 =	vld.idx.msk [tilespmem:v53+s10+$0x0], $0xffff  }
0xfa: {  	v54 =	vadd.s32 v24, v35;
	_ =	sdelay $0x3  }
0xfb: {  	[tilespmem:s14+$0x12F80] =	vst v36  }
0xfc: {  	v36 =	vld.idx.msk [tilespmem:v54+s10+$0x0], $0xffff  }
0xfd: {  	v55 =	vadd.s32 v25, v35;
	_ =	sdelay $0x3  }
0xfe: {  	[tilespmem:s14+$0x13000] =	vst v36  }
0xff: {  	v36 =	vld.idx.msk [tilespmem:v55+s10+$0x0], $0xffff  }
0x100: {  	v56 =	vadd.s32 v26, v35;
	_ =	sdelay $0x3  }
0x101: {  	[tilespmem:s14+$0x13080] =	vst v36  }
0x102: {  	v36 =	vld.idx.msk [tilespmem:v56+s10+$0x0], $0xffff  }
0x103: {  	v57 =	vadd.s32 v27, v35;
	_ =	sdelay $0x3  }
0x104: {  	[tilespmem:s14+$0x13100] =	vst v36  }
0x105: {  	v36 =	vld.idx.msk [tilespmem:v57+s10+$0x0], $0xffff  }
0x106: {  	v58 =	vadd.s32 v28, v35;
	_ =	sdelay $0x3  }
0x107: {  	[tilespmem:s14+$0x13180] =	vst v36  }
0x108: {  	v36 =	vld.idx.msk [tilespmem:v58+s10+$0x0], $0xffff  }
0x109: {  	v59 =	vadd.s32 v29, v35;
	_ =	sdelay $0x3  }
0x10a: {  	[tilespmem:s14+$0x13200] =	vst v36  }
0x10b: {  	v36 =	vld.idx.msk [tilespmem:v59+s10+$0x0], $0xffff  }
0x10c: {  	v60 =	vadd.s32 v30, v35;
	_ =	sdelay $0x3  }
0x10d: {  	[tilespmem:s14+$0x13280] =	vst v36  }
0x10e: {  	v36 =	vld.idx.msk [tilespmem:v60+s10+$0x0], $0xffff  }
0x10f: {  	v61 =	vadd.s32 v31, v35;
	_ =	sdelay $0x3  }
0x110: {  	[tilespmem:s14+$0x13300] =	vst v36  }
0x111: {  	v36 =	vld.idx.msk [tilespmem:v61+s10+$0x0], $0xffff  }
0x112: {  	v62 =	vadd.s32 v32, v35;
	_ =	sdelay $0x3  }
0x113: {  	[tilespmem:s14+$0x13380] =	vst v36  }
0x114: {  	v36 =	vld.idx.msk [tilespmem:v62+s10+$0x0], $0xffff  }
0x115: {  	v63 =	vadd.s32 v33, v35;
	_ =	sdelay $0x3  }
0x116: {  	[tilespmem:s14+$0x13400] =	vst v36  }
0x117: {  	v36 =	vld.idx.msk [tilespmem:v63+s10+$0x0], $0xffff  }
0x118: {  	v35 =	vadd.s32 v34, v35;
	_ =	sdelay $0x3  }
0x119: {  	s13 =	sadd.s32 $0x1, s13;
	[tilespmem:s14+$0x13480] =	vst v36  }
0x11a: {  	p0 =	sne.s32 s13, $0x8;
	v35 =	vld.idx.msk [tilespmem:v35+s10+$0x0], $0xffff  }
.Ltmp1:
0x11b: {  	_ = 	snop;
	(pc) =	sbr.rel @p0 .LBB2_2-.Ltmp1, $2  }
0x11c: {  	_ =	sdelay $0x2  }
0x11d: {  	[tilespmem:s14+$0x13500] =	vst v35  }
0x11e: {  	s12 =	sadd.s32 $0x1, s12  }
0x11f: {  	p0 =	sne.s32 s12, s7  }
.Ltmp2:
0x120: {  	_ = 	snop;
	(pc) =	sbr.rel @p0 .LBB2_1-.Ltmp2, $4  }
0x121: {  	[hbm4b:s6+s3] =	stream.linear.scatter [tilespmem:s11], [sflag:$0x2], $0x900, $0x38;
	[tilespmem:$0x13880] =	vst v63  }
0x122: {  	_ =	swait.ge [sflag:s8], $0x900  }
0x123: {  	[sflag:s8] =	ssyncset.done $0x0  }
0x124: {  	[sflag:s8] =	ssyncadd.s32 $0xFFFFF700  }
0x125: {  	_ =	sfence.sel $0x180000  }
0x126: {  	[bflag:$0x0] =	sbarrier.arrive $0xFFFF  }
0x127: {  	p0 =	sne.s32 s2, $0x0;
	_ =	strace $0x90000047  }
0x128: {  	s0 =	sadd.s32 @!p0 $0x100000, s1;
	[bflag:$0x2] =	sbarrier.arrive $0xFFFF  }
0x129: {  	[sflag:s0] =	ssyncadd.tile.s32 @!p0 $0x1;
	_ =	shalt  }
.Lfunc_end2:
_tile_overlayer_lowered:
.L_overlay_start_2:
0x12a: {  	(tag) =	ssettag $0x2  }
0x12b: {  	s0 =	rddreg [dreg:$0x0];
	s2 =	stileid.u32  }
0x12c: {  	s1 =	rddreg [dreg:$0x1];
	p0 =	sne.s32 s2, $0x0  }
0x12d: {  	s3 =	rddreg [dreg:$0x2];
	[bflag:$0x3] =	sbarrier.arrive $0xFFFF;
	s2 =	simm.s32 @!p0 $0x1C02  }
0x12e: {  	[timem:s3], [sflag:s2] =	dma.local @!p0 [hbm:s0], s1  }
0x12f: {  	s0 =	simm.s32 @!p0 $0x2  }
0x130: {  	_ =	swait.ge @!p0 [sflag:s0], s1  }
0x131: {  	s1 =	ssub.s32 @!p0 $0x0, s1;
	[sflag:s0] =	ssyncset.done @!p0 $0x0  }
0x132: {  	[sflag:s0] =	ssyncadd.s32 @!p0 s1  }
0x133: {  	[bflag:$0x3] =	sbarrier.arrive $0xFFFF  }
0x134: {  	_ =	shalt  }

</sc_bundles>
